<compile_context>
chip_gen: v7x
topology: tpu7x:2x2x1
jax: 0.10.2.dev20260603
libtpu: 0.0.44.dev20260713+nightly
codegen_flags: <defaults>
</compile_context>

<pallas_src>
import jax
import jax.numpy as jnp
from jax import lax
from jax.experimental import pallas as pl
from jax.experimental.pallas import tpu as pltpu
from jax.experimental.pallas import tpu_sc as plsc

SEQ_LEN = 4096
D_MODEL = 1024
BATCH = 4

_info = plsc.get_sparse_core_info()
NUM_CORES = _info.num_cores
NUM_SUBCORES = _info.num_subcores
NUM_WORKERS = NUM_CORES * NUM_SUBCORES
LANES = _info.num_lanes

ROWS_PER_WORKER = SEQ_LEN // NUM_WORKERS
CHUNK_ROWS = 8
CHUNK_WORDS = CHUNK_ROWS * D_MODEL
NUM_CHUNKS = ROWS_PER_WORKER // CHUNK_ROWS


def _body(x_hbm, t_hbm, out_hbm,
          ib0, ib1, ib2, ib3, ob0, ob1, ob2, ob3, tb0, tb1,
          in_s0, in_s1, in_s2, in_s3,
          out_s0, out_s1, out_s2, out_s3, t_s0, t_s1):
    wid = lax.axis_index("s") * NUM_CORES + lax.axis_index("c")
    base_row = wid * ROWS_PER_WORKER

    ibufs = (ib0, ib1, ib2, ib3)
    obufs = (ob0, ob1, ob2, ob3)
    tbufs = (tb0, tb1)
    in_sems = (in_s0, in_s1, in_s2, in_s3)
    out_sems = (out_s0, out_s1, out_s2, out_s3)
    t_sems = (t_s0, t_s1)

    def t_slice(chunk):
        return t_hbm.at[pl.ds(base_row + chunk * CHUNK_ROWS, CHUNK_ROWS), :]

    def x_slice(chunk, b):
        return x_hbm.at[b, pl.ds(base_row + chunk * CHUNK_ROWS, CHUNK_ROWS), :]

    def o_slice(chunk, b):
        return out_hbm.at[b, pl.ds(base_row + chunk * CHUNK_ROWS, CHUNK_ROWS), :]

    pltpu.make_async_copy(t_slice(0), tb0, t_s0).start()
    for b in range(BATCH):
        pltpu.make_async_copy(x_slice(0, b), ibufs[b], in_sems[b]).start()
    pltpu.make_async_copy(t_slice(1), tb1, t_s1).start()

    def chunk_pair(it, _):
        for cp in (0, 1):
            chunk = 2 * it + cp
            pltpu.make_async_copy(t_slice(chunk), tbufs[cp], t_sems[cp]).wait()

            for h in (0, 1):
                b0, b1 = 2 * h, 2 * h + 1
                pltpu.make_async_copy(x_slice(chunk, b0), ibufs[b0],
                                      in_sems[b0]).wait()
                pltpu.make_async_copy(x_slice(chunk, b1), ibufs[b1],
                                      in_sems[b1]).wait()

                def wait_out():
                    pltpu.make_async_copy(obufs[b0], o_slice(chunk - 1, b0),
                                          out_sems[b0]).wait()
                    pltpu.make_async_copy(obufs[b1], o_slice(chunk - 1, b1),
                                          out_sems[b1]).wait()

                if cp == 0:
                    pl.when(it > 0)(wait_out)
                else:
                    wait_out()

                ia, ic = ibufs[b0], ibufs[b1]
                oa, oc = obufs[b0], obufs[b1]
                tb = tbufs[cp]

                @plsc.parallel_loop(0, CHUNK_WORDS, LANES, unroll=16)
                def add_body(i):
                    r = i // D_MODEL
                    c = i % D_MODEL
                    sl = pl.ds(c, LANES)
                    tv = tb[r, sl]
                    oa[r, sl] = ia[r, sl] + tv
                    oc[r, sl] = ic[r, sl] + tv

                pltpu.make_async_copy(obufs[b0], o_slice(chunk, b0),
                                      out_sems[b0]).start()
                pltpu.make_async_copy(obufs[b1], o_slice(chunk, b1),
                                      out_sems[b1]).start()

                def start_in():
                    pltpu.make_async_copy(x_slice(chunk + 1, b0), ibufs[b0],
                                          in_sems[b0]).start()
                    pltpu.make_async_copy(x_slice(chunk + 1, b1), ibufs[b1],
                                          in_sems[b1]).start()

                if cp == 0:
                    start_in()
                else:
                    pl.when(chunk < NUM_CHUNKS - 1)(start_in)

            def start_t():
                pltpu.make_async_copy(t_slice(chunk + 2), tbufs[cp],
                                      t_sems[cp]).start()

            pl.when(chunk < NUM_CHUNKS - 2)(start_t)
        return ()

    lax.fori_loop(0, NUM_CHUNKS // 2, chunk_pair, ())

    for b in range(BATCH):
        pltpu.make_async_copy(obufs[b], o_slice(NUM_CHUNKS - 1, b),
                              out_sems[b]).wait()


@jax.jit
def _pos_emb_add(x, t):
    mesh = plsc.VectorSubcoreMesh(core_axis_name="c", subcore_axis_name="s")
    buf = pltpu.VMEM((CHUNK_ROWS, D_MODEL), jnp.float32)
    sem = pltpu.SemaphoreType.DMA
    return pl.kernel(
        _body,
        out_type=jax.ShapeDtypeStruct((BATCH, SEQ_LEN, D_MODEL), jnp.float32),
        mesh=mesh,
        scratch_types=[buf] * 10 + [sem] * 10,
    )(x, t)


def kernel(inputs, pos_table):
    return _pos_emb_add(inputs, pos_table)

# --- scband reference (transcript-rebuilt; emitter-appended) ---
"""Pipeline reference for scband-positional-embedding-90855738180128 (READ-ONLY COPY).

The authoritative reference and input builder live on the scoring server;
editing this copy changes nothing except your own understanding.
"""

import jax, jax.numpy as jnp
import numpy as np

SEQ_LEN = 4096
D_MODEL = 1024
BATCH = 4

def setup_inputs(seed: int = 0) -> dict:
    key = jax.random.key(seed)
    k1, k2 = jax.random.split(key)
    inputs = jax.random.normal(k1, (BATCH, SEQ_LEN, D_MODEL), dtype=jnp.float32)
    # Keras Embedding default init: uniform(-0.05, 0.05)
    pos_table = jax.random.uniform(k2, (SEQ_LEN, D_MODEL), dtype=jnp.float32, minval=-0.05, maxval=0.05)
    return {"inputs": inputs, "pos_table": pos_table}

def reference(inputs, pos_table):
    positions = jnp.arange(SEQ_LEN)
    pos_emb = jnp.take(pos_table, positions, axis=0)  # [SEQ_LEN, D_MODEL]
    return inputs + pos_emb[None, :, :]

if __name__ == "__main__":
    import jax
    _d = setup_inputs()
    print(jax.jit(kernel)(*tuple(_d.values())))

</pallas_src>

<mosaic_0001>
#map = affine_map<(d0, d1) -> (0, 0, 0)>
#map1 = affine_map<(d0, d1) -> (0, 0)>
module attributes {stable_mosaic.version = 14 : i64} {
  func.func @_body(%arg0: i32, %arg1: i32, %arg2: memref<4x4096x1024xf32, #tpu.memory_space<hbm>>, %arg3: memref<4096x1024xf32, #tpu.memory_space<hbm>>, %arg4: memref<4x4096x1024xf32, #tpu.memory_space<hbm>>, %arg5: memref<8x1024xf32, #tpu.memory_space<vmem>>, %arg6: memref<8x1024xf32, #tpu.memory_space<vmem>>, %arg7: memref<8x1024xf32, #tpu.memory_space<vmem>>, %arg8: memref<8x1024xf32, #tpu.memory_space<vmem>>, %arg9: memref<8x1024xf32, #tpu.memory_space<vmem>>, %arg10: memref<8x1024xf32, #tpu.memory_space<vmem>>, %arg11: memref<8x1024xf32, #tpu.memory_space<vmem>>, %arg12: memref<8x1024xf32, #tpu.memory_space<vmem>>, %arg13: memref<8x1024xf32, #tpu.memory_space<vmem>>, %arg14: memref<8x1024xf32, #tpu.memory_space<vmem>>, %arg15: memref<!tpu.dma_semaphore, #tpu.memory_space<semaphore_mem>>, %arg16: memref<!tpu.dma_semaphore, #tpu.memory_space<semaphore_mem>>, %arg17: memref<!tpu.dma_semaphore, #tpu.memory_space<semaphore_mem>>, %arg18: memref<!tpu.dma_semaphore, #tpu.memory_space<semaphore_mem>>, %arg19: memref<!tpu.dma_semaphore, #tpu.memory_space<semaphore_mem>>, %arg20: memref<!tpu.dma_semaphore, #tpu.memory_space<semaphore_mem>>, %arg21: memref<!tpu.dma_semaphore, #tpu.memory_space<semaphore_mem>>, %arg22: memref<!tpu.dma_semaphore, #tpu.memory_space<semaphore_mem>>, %arg23: memref<!tpu.dma_semaphore, #tpu.memory_space<semaphore_mem>>, %arg24: memref<!tpu.dma_semaphore, #tpu.memory_space<semaphore_mem>>) attributes {dimension_semantics = [#tpu.dimension_semantics<core_parallel>, #tpu.dimension_semantics<subcore_parallel>], iteration_bounds = array<i64: 2, 16>, scalar_prefetch = 0 : i64, scratch_operands = 20 : i64, tpu.core_type = #tpu.core_type<sc_vector_subcore>, window_params = [{transform_indices = #map}, {transform_indices = #map1}, {transform_indices = #map}]} {
    %mul3A = arith.constant 2 : i32
    %mul3A_0 = arith.muli %arg1, %mul3A : i32
    %add3A = arith.addi %mul3A_0, %arg0 : i32
    %mul3A_1 = arith.constant 128 : i32
    %mul3A_2 = arith.muli %add3A, %mul3A_1 : i32
    %add3A_3 = arith.constant 0 : i32
    %add3A_4 = arith.addi %mul3A_2, %add3A_3 : i32
    %dma_start3A = arith.constant 0 : i32
    %dma_start3A_5 = tpu.memref_slice %arg3[%add3A_4, %dma_start3A] : memref<4096x1024xf32, #tpu.memory_space<hbm>> -> memref<8x1024xf32, #tpu.memory_space<hbm>>
    %dma_start3A_6 = arith.constant 0 : i32
    %dma_start3A_7 = tpu.memref_slice %arg3[%add3A_4, %dma_start3A_6] : memref<4096x1024xf32, #tpu.memory_space<hbm>> -> memref<8x1024xf32, #tpu.memory_space<hbm>>
    tpu.enqueue_dma source(%dma_start3A_7 : memref<8x1024xf32, #tpu.memory_space<hbm>>) target(%arg13 : memref<8x1024xf32, #tpu.memory_space<vmem>>) target_semaphore(%arg23 : memref<!tpu.dma_semaphore, #tpu.memory_space<semaphore_mem>>)
    %add3A_8 = arith.constant 0 : i32
    %add3A_9 = arith.addi %mul3A_2, %add3A_8 : i32
    %dma_start3A_10 = arith.constant 0 : i32
    %dma_start3A_11 = arith.constant 0 : i32
    %dma_start3A_12 = tpu.memref_slice %arg2[%dma_start3A_10, %add3A_9, %dma_start3A_11] : memref<4x4096x1024xf32, #tpu.memory_space<hbm>> -> memref<1x8x1024xf32, #tpu.memory_space<hbm>>
    %dma_start3A_13 = tpu.memref_squeeze %dma_start3A_12 : memref<1x8x1024xf32, #tpu.memory_space<hbm>> -> memref<8x1024xf32, #tpu.memory_space<hbm>>
    %dma_start3A_14 = arith.constant 0 : i32
    %dma_start3A_15 = tpu.memref_slice %arg2[%dma_start3A_10, %add3A_9, %dma_start3A_14] : memref<4x4096x1024xf32, #tpu.memory_space<hbm>> -> memref<1x8x1024xf32, #tpu.memory_space<hbm>>
    %dma_start3A_16 = tpu.memref_squeeze %dma_start3A_15 : memref<1x8x1024xf32, #tpu.memory_space<hbm>> -> memref<8x1024xf32, #tpu.memory_space<hbm>>
    tpu.enqueue_dma source(%dma_start3A_16 : memref<8x1024xf32, #tpu.memory_space<hbm>>) target(%arg5 : memref<8x1024xf32, #tpu.memory_space<vmem>>) target_semaphore(%arg15 : memref<!tpu.dma_semaphore, #tpu.memory_space<semaphore_mem>>)
    %add3A_17 = arith.constant 0 : i32
    %add3A_18 = arith.addi %mul3A_2, %add3A_17 : i32
    %dma_start3A_19 = arith.constant 1 : i32
    %dma_start3A_20 = arith.constant 0 : i32
    %dma_start3A_21 = tpu.memref_slice %arg2[%dma_start3A_19, %add3A_18, %dma_start3A_20] : memref<4x4096x1024xf32, #tpu.memory_space<hbm>> -> memref<1x8x1024xf32, #tpu.memory_space<hbm>>
    %dma_start3A_22 = tpu.memref_squeeze %dma_start3A_21 : memref<1x8x1024xf32, #tpu.memory_space<hbm>> -> memref<8x1024xf32, #tpu.memory_space<hbm>>
    %dma_start3A_23 = arith.constant 0 : i32
    %dma_start3A_24 = tpu.memref_slice %arg2[%dma_start3A_19, %add3A_18, %dma_start3A_23] : memref<4x4096x1024xf32, #tpu.memory_space<hbm>> -> memref<1x8x1024xf32, #tpu.memory_space<hbm>>
    %dma_start3A_25 = tpu.memref_squeeze %dma_start3A_24 : memref<1x8x1024xf32, #tpu.memory_space<hbm>> -> memref<8x1024xf32, #tpu.memory_space<hbm>>
    tpu.enqueue_dma source(%dma_start3A_25 : memref<8x1024xf32, #tpu.memory_space<hbm>>) target(%arg6 : memref<8x1024xf32, #tpu.memory_space<vmem>>) target_semaphore(%arg16 : memref<!tpu.dma_semaphore, #tpu.memory_space<semaphore_mem>>)
    %add3A_26 = arith.constant 0 : i32
    %add3A_27 = arith.addi %mul3A_2, %add3A_26 : i32
    %dma_start3A_28 = arith.constant 2 : i32
    %dma_start3A_29 = arith.constant 0 : i32
    %dma_start3A_30 = tpu.memref_slice %arg2[%dma_start3A_28, %add3A_27, %dma_start3A_29] : memref<4x4096x1024xf32, #tpu.memory_space<hbm>> -> memref<1x8x1024xf32, #tpu.memory_space<hbm>>
    %dma_start3A_31 = tpu.memref_squeeze %dma_start3A_30 : memref<1x8x1024xf32, #tpu.memory_space<hbm>> -> memref<8x1024xf32, #tpu.memory_space<hbm>>
    %dma_start3A_32 = arith.constant 0 : i32
    %dma_start3A_33 = tpu.memref_slice %arg2[%dma_start3A_28, %add3A_27, %dma_start3A_32] : memref<4x4096x1024xf32, #tpu.memory_space<hbm>> -> memref<1x8x1024xf32, #tpu.memory_space<hbm>>
    %dma_start3A_34 = tpu.memref_squeeze %dma_start3A_33 : memref<1x8x1024xf32, #tpu.memory_space<hbm>> -> memref<8x1024xf32, #tpu.memory_space<hbm>>
    tpu.enqueue_dma source(%dma_start3A_34 : memref<8x1024xf32, #tpu.memory_space<hbm>>) target(%arg7 : memref<8x1024xf32, #tpu.memory_space<vmem>>) target_semaphore(%arg17 : memref<!tpu.dma_semaphore, #tpu.memory_space<semaphore_mem>>)
    %add3A_35 = arith.constant 0 : i32
    %add3A_36 = arith.addi %mul3A_2, %add3A_35 : i32
    %dma_start3A_37 = arith.constant 3 : i32
    %dma_start3A_38 = arith.constant 0 : i32
    %dma_start3A_39 = tpu.memref_slice %arg2[%dma_start3A_37, %add3A_36, %dma_start3A_38] : memref<4x4096x1024xf32, #tpu.memory_space<hbm>> -> memref<1x8x1024xf32, #tpu.memory_space<hbm>>
    %dma_start3A_40 = tpu.memref_squeeze %dma_start3A_39 : memref<1x8x1024xf32, #tpu.memory_space<hbm>> -> memref<8x1024xf32, #tpu.memory_space<hbm>>
    %dma_start3A_41 = arith.constant 0 : i32
    %dma_start3A_42 = tpu.memref_slice %arg2[%dma_start3A_37, %add3A_36, %dma_start3A_41] : memref<4x4096x1024xf32, #tpu.memory_space<hbm>> -> memref<1x8x1024xf32, #tpu.memory_space<hbm>>
    %dma_start3A_43 = tpu.memref_squeeze %dma_start3A_42 : memref<1x8x1024xf32, #tpu.memory_space<hbm>> -> memref<8x1024xf32, #tpu.memory_space<hbm>>
    tpu.enqueue_dma source(%dma_start3A_43 : memref<8x1024xf32, #tpu.memory_space<hbm>>) target(%arg8 : memref<8x1024xf32, #tpu.memory_space<vmem>>) target_semaphore(%arg18 : memref<!tpu.dma_semaphore, #tpu.memory_space<semaphore_mem>>)
    %add3A_44 = arith.constant 8 : i32
    %add3A_45 = arith.addi %mul3A_2, %add3A_44 : i32
    %dma_start3A_46 = arith.constant 0 : i32
    %dma_start3A_47 = tpu.memref_slice %arg3[%add3A_45, %dma_start3A_46] : memref<4096x1024xf32, #tpu.memory_space<hbm>> -> memref<8x1024xf32, #tpu.memory_space<hbm>>
    %dma_start3A_48 = arith.constant 0 : i32
    %dma_start3A_49 = tpu.memref_slice %arg3[%add3A_45, %dma_start3A_48] : memref<4096x1024xf32, #tpu.memory_space<hbm>> -> memref<8x1024xf32, #tpu.memory_space<hbm>>
    tpu.enqueue_dma source(%dma_start3A_49 : memref<8x1024xf32, #tpu.memory_space<hbm>>) target(%arg14 : memref<8x1024xf32, #tpu.memory_space<vmem>>) target_semaphore(%arg24 : memref<!tpu.dma_semaphore, #tpu.memory_space<semaphore_mem>>)
    %scan3A = arith.constant 0 : i32
    %scan3A_50 = arith.constant 8 : i32
    %scan3A_51 = arith.addi %scan3A, %scan3A_50 : i32
    %scan3A_52 = arith.constant 1 : i32
    scf.for %scan3A_89 = %scan3A to %scan3A_51 step %scan3A_52  : i32 {
      %mul3A_90 = arith.constant 2 : i32
      %mul3A_91 = arith.muli %mul3A_90, %scan3A_89 : i32
      %add3A_92 = arith.constant 0 : i32
      %add3A_93 = arith.addi %mul3A_91, %add3A_92 : i32
      %mul3A_94 = arith.constant 8 : i32
      %mul3A_95 = arith.muli %add3A_93, %mul3A_94 : i32
      %add3A_96 = arith.addi %mul3A_2, %mul3A_95 : i32
      %dma_wait3A_97 = arith.constant 0 : i32
      %dma_wait3A_98 = tpu.memref_slice %arg3[%add3A_96, %dma_wait3A_97] : memref<4096x1024xf32, #tpu.memory_space<hbm>> -> memref<8x1024xf32, #tpu.memory_space<hbm>>
      %dma_wait3A_99 = arith.constant 0 : i32
      %dma_wait3A_100 = tpu.memref_slice %arg3[%add3A_96, %dma_wait3A_99] : memref<4096x1024xf32, #tpu.memory_space<hbm>> -> memref<8x1024xf32, #tpu.memory_space<hbm>>
      tpu.wait_dma2 semaphore(%arg23 : memref<!tpu.dma_semaphore, #tpu.memory_space<semaphore_mem>>) src(%dma_wait3A_100 : memref<8x1024xf32, #tpu.memory_space<hbm>>) dst(%arg13 : memref<8x1024xf32, #tpu.memory_space<vmem>>)
      %mul3A_101 = arith.constant 8 : i32
      %mul3A_102 = arith.muli %add3A_93, %mul3A_101 : i32
      %add3A_103 = arith.addi %mul3A_2, %mul3A_102 : i32
      %dma_wait3A_104 = arith.constant 0 : i32
      %dma_wait3A_105 = arith.constant 0 : i32
      %dma_wait3A_106 = tpu.memref_slice %arg2[%dma_wait3A_104, %add3A_103, %dma_wait3A_105] : memref<4x4096x1024xf32, #tpu.memory_space<hbm>> -> memref<1x8x1024xf32, #tpu.memory_space<hbm>>
      %dma_wait3A_107 = tpu.memref_squeeze %dma_wait3A_106 : memref<1x8x1024xf32, #tpu.memory_space<hbm>> -> memref<8x1024xf32, #tpu.memory_space<hbm>>
      %dma_wait3A_108 = arith.constant 0 : i32
      %dma_wait3A_109 = tpu.memref_slice %arg2[%dma_wait3A_104, %add3A_103, %dma_wait3A_108] : memref<4x4096x1024xf32, #tpu.memory_space<hbm>> -> memref<1x8x1024xf32, #tpu.memory_space<hbm>>
      %dma_wait3A_110 = tpu.memref_squeeze %dma_wait3A_109 : memref<1x8x1024xf32, #tpu.memory_space<hbm>> -> memref<8x1024xf32, #tpu.memory_space<hbm>>
      tpu.wait_dma2 semaphore(%arg15 : memref<!tpu.dma_semaphore, #tpu.memory_space<semaphore_mem>>) src(%dma_wait3A_110 : memref<8x1024xf32, #tpu.memory_space<hbm>>) dst(%arg5 : memref<8x1024xf32, #tpu.memory_space<vmem>>)
      %mul3A_111 = arith.constant 8 : i32
      %mul3A_112 = arith.muli %add3A_93, %mul3A_111 : i32
      %add3A_113 = arith.addi %mul3A_2, %mul3A_112 : i32
      %dma_wait3A_114 = arith.constant 1 : i32
      %dma_wait3A_115 = arith.constant 0 : i32
      %dma_wait3A_116 = tpu.memref_slice %arg2[%dma_wait3A_114, %add3A_113, %dma_wait3A_115] : memref<4x4096x1024xf32, #tpu.memory_space<hbm>> -> memref<1x8x1024xf32, #tpu.memory_space<hbm>>
      %dma_wait3A_117 = tpu.memref_squeeze %dma_wait3A_116 : memref<1x8x1024xf32, #tpu.memory_space<hbm>> -> memref<8x1024xf32, #tpu.memory_space<hbm>>
      %dma_wait3A_118 = arith.constant 0 : i32
      %dma_wait3A_119 = tpu.memref_slice %arg2[%dma_wait3A_114, %add3A_113, %dma_wait3A_118] : memref<4x4096x1024xf32, #tpu.memory_space<hbm>> -> memref<1x8x1024xf32, #tpu.memory_space<hbm>>
      %dma_wait3A_120 = tpu.memref_squeeze %dma_wait3A_119 : memref<1x8x1024xf32, #tpu.memory_space<hbm>> -> memref<8x1024xf32, #tpu.memory_space<hbm>>
      tpu.wait_dma2 semaphore(%arg16 : memref<!tpu.dma_semaphore, #tpu.memory_space<semaphore_mem>>) src(%dma_wait3A_120 : memref<8x1024xf32, #tpu.memory_space<hbm>>) dst(%arg6 : memref<8x1024xf32, #tpu.memory_space<vmem>>)
      %gt3A = arith.constant 0 : i32
      %gt3A_121 = arith.cmpi sgt, %scan3A_89, %gt3A : i32
      %convert_element_type3A = arith.extui %gt3A_121 : i1 to i32
      %cond3A = arith.constant 0 : i32
      %cond3A_122 = arith.cmpi ne, %convert_element_type3A, %cond3A : i32
      scf.if %cond3A_122 {
        %sub3A_404 = arith.constant 1 : i32
        %sub3A_405 = arith.subi %add3A_93, %sub3A_404 : i32
        %mul3A_406 = arith.constant 8 : i32
        %mul3A_407 = arith.muli %sub3A_405, %mul3A_406 : i32
        %add3A_408 = arith.addi %mul3A_2, %mul3A_407 : i32
        %dma_wait3A_409 = arith.constant 0 : i32
        %dma_wait3A_410 = arith.constant 0 : i32
        %dma_wait3A_411 = tpu.memref_slice %arg4[%dma_wait3A_409, %add3A_408, %dma_wait3A_410] : memref<4x4096x1024xf32, #tpu.memory_space<hbm>> -> memref<1x8x1024xf32, #tpu.memory_space<hbm>>
        %dma_wait3A_412 = tpu.memref_squeeze %dma_wait3A_411 : memref<1x8x1024xf32, #tpu.memory_space<hbm>> -> memref<8x1024xf32, #tpu.memory_space<hbm>>
        %dma_wait3A_413 = arith.constant 0 : i32
        %dma_wait3A_414 = tpu.memref_slice %arg4[%dma_wait3A_409, %add3A_408, %dma_wait3A_413] : memref<4x4096x1024xf32, #tpu.memory_space<hbm>> -> memref<1x8x1024xf32, #tpu.memory_space<hbm>>
        %dma_wait3A_415 = tpu.memref_squeeze %dma_wait3A_414 : memref<1x8x1024xf32, #tpu.memory_space<hbm>> -> memref<8x1024xf32, #tpu.memory_space<hbm>>
        tpu.wait_dma2 semaphore(%arg19 : memref<!tpu.dma_semaphore, #tpu.memory_space<semaphore_mem>>) src(%arg9 : memref<8x1024xf32, #tpu.memory_space<vmem>>) dst(%dma_wait3A_415 : memref<8x1024xf32, #tpu.memory_space<hbm>>)
        %sub3A_416 = arith.constant 1 : i32
        %sub3A_417 = arith.subi %add3A_93, %sub3A_416 : i32
        %mul3A_418 = arith.constant 8 : i32
        %mul3A_419 = arith.muli %sub3A_417, %mul3A_418 : i32
        %add3A_420 = arith.addi %mul3A_2, %mul3A_419 : i32
        %dma_wait3A_421 = arith.constant 1 : i32
        %dma_wait3A_422 = arith.constant 0 : i32
        %dma_wait3A_423 = tpu.memref_slice %arg4[%dma_wait3A_421, %add3A_420, %dma_wait3A_422] : memref<4x4096x1024xf32, #tpu.memory_space<hbm>> -> memref<1x8x1024xf32, #tpu.memory_space<hbm>>
        %dma_wait3A_424 = tpu.memref_squeeze %dma_wait3A_423 : memref<1x8x1024xf32, #tpu.memory_space<hbm>> -> memref<8x1024xf32, #tpu.memory_space<hbm>>
        %dma_wait3A_425 = arith.constant 0 : i32
        %dma_wait3A_426 = tpu.memref_slice %arg4[%dma_wait3A_421, %add3A_420, %dma_wait3A_425] : memref<4x4096x1024xf32, #tpu.memory_space<hbm>> -> memref<1x8x1024xf32, #tpu.memory_space<hbm>>
        %dma_wait3A_427 = tpu.memref_squeeze %dma_wait3A_426 : memref<1x8x1024xf32, #tpu.memory_space<hbm>> -> memref<8x1024xf32, #tpu.memory_space<hbm>>
        tpu.wait_dma2 semaphore(%arg20 : memref<!tpu.dma_semaphore, #tpu.memory_space<semaphore_mem>>) src(%arg10 : memref<8x1024xf32, #tpu.memory_space<vmem>>) dst(%dma_wait3A_427 : memref<8x1024xf32, #tpu.memory_space<hbm>>)
      } else {
      }
      %parallel_loop3A = arith.constant 0 : i32
      %parallel_loop3A_123 = arith.constant 8192 : i32
      %parallel_loop3A_124 = arith.constant 16 : i32
      scf.for %parallel_loop3A_404 = %parallel_loop3A to %parallel_loop3A_123 step %parallel_loop3A_124  : i32 {
        %parallel_loop3A_405 = arith.constant 1024 : i32
        %parallel_loop3A_406 = arith.divsi %parallel_loop3A_404, %parallel_loop3A_405 : i32
        %parallel_loop3A_407 = arith.constant 0 : i32
        %parallel_loop3A_408 = arith.cmpi sgt, %parallel_loop3A_404, %parallel_loop3A_407 : i32
        %parallel_loop3A_409 = arith.extui %parallel_loop3A_408 : i1 to i32
        %parallel_loop3A_410 = arith.constant 0 : i32
        %parallel_loop3A_411 = arith.cmpi slt, %parallel_loop3A_404, %parallel_loop3A_410 : i32
        %parallel_loop3A_412 = arith.extui %parallel_loop3A_411 : i1 to i32
        %parallel_loop3A_413 = arith.subi %parallel_loop3A_409, %parallel_loop3A_412 : i32
        %parallel_loop3A_414 = arith.constant 0 : i32
        %parallel_loop3A_415 = arith.cmpi sgt, %parallel_loop3A_405, %parallel_loop3A_414 : i32
        %parallel_loop3A_416 = arith.extui %parallel_loop3A_415 : i1 to i32
        %parallel_loop3A_417 = arith.constant 0 : i32
        %parallel_loop3A_418 = arith.cmpi slt, %parallel_loop3A_405, %parallel_loop3A_417 : i32
        %parallel_loop3A_419 = arith.extui %parallel_loop3A_418 : i1 to i32
        %parallel_loop3A_420 = arith.subi %parallel_loop3A_416, %parallel_loop3A_419 : i32
        %parallel_loop3A_421 = arith.cmpi ne, %parallel_loop3A_413, %parallel_loop3A_420 : i32
        %parallel_loop3A_422 = arith.remsi %parallel_loop3A_404, %parallel_loop3A_405 : i32
        %parallel_loop3A_423 = arith.constant 0 : i32
        %parallel_loop3A_424 = arith.cmpi ne, %parallel_loop3A_422, %parallel_loop3A_423 : i32
        %parallel_loop3A_425 = arith.andi %parallel_loop3A_421, %parallel_loop3A_424 : i1
        %parallel_loop3A_426 = arith.constant 1 : i32
        %parallel_loop3A_427 = arith.subi %parallel_loop3A_406, %parallel_loop3A_426 : i32
        %parallel_loop3A_428 = arith.select %parallel_loop3A_425, %parallel_loop3A_427, %parallel_loop3A_406 : i32
        %parallel_loop3A_429 = arith.constant 1024 : i32
        %parallel_loop3A_430 = arith.constant 0 : i32
        %parallel_loop3A_431 = arith.cmpi eq, %parallel_loop3A_429, %parallel_loop3A_430 : i32
        %parallel_loop3A_432 = arith.constant 1 : i32
        %parallel_loop3A_433 = arith.select %parallel_loop3A_431, %parallel_loop3A_432, %parallel_loop3A_429 : i32
        %parallel_loop3A_434 = arith.remsi %parallel_loop3A_404, %parallel_loop3A_433 : i32
        %parallel_loop3A_435 = arith.constant 0 : i32
        %parallel_loop3A_436 = arith.cmpi ne, %parallel_loop3A_434, %parallel_loop3A_435 : i32
        %parallel_loop3A_437 = arith.constant 0 : i32
        %parallel_loop3A_438 = arith.cmpi slt, %parallel_loop3A_434, %parallel_loop3A_437 : i32
        %parallel_loop3A_439 = arith.constant 0 : i32
        %parallel_loop3A_440 = arith.cmpi slt, %parallel_loop3A_433, %parallel_loop3A_439 : i32
        %parallel_loop3A_441 = arith.xori %parallel_loop3A_438, %parallel_loop3A_440 : i1
        %parallel_loop3A_442 = arith.andi %parallel_loop3A_441, %parallel_loop3A_436 : i1
        %parallel_loop3A_443 = arith.addi %parallel_loop3A_434, %parallel_loop3A_433 : i32
        %parallel_loop3A_444 = arith.select %parallel_loop3A_442, %parallel_loop3A_443, %parallel_loop3A_434 : i32
        %parallel_loop3A_445 = arith.index_cast %parallel_loop3A_428 : i32 to index
        %parallel_loop3A_446 = arith.index_cast %parallel_loop3A_444 : i32 to index
        %parallel_loop3A_447 = tpu.vector_load %arg13[%parallel_loop3A_445, %parallel_loop3A_446] {strides = array<i32>} : memref<8x1024xf32, #tpu.memory_space<vmem>>, vector<1x16xf32>,
        %parallel_loop3A_448 = vector.shape_cast %parallel_loop3A_447 : vector<1x16xf32> to vector<16xf32>
        %parallel_loop3A_449 = arith.index_cast %parallel_loop3A_428 : i32 to index
        %parallel_loop3A_450 = arith.index_cast %parallel_loop3A_444 : i32 to index
        %parallel_loop3A_451 = tpu.vector_load %arg5[%parallel_loop3A_449, %parallel_loop3A_450] {strides = array<i32>} : memref<8x1024xf32, #tpu.memory_space<vmem>>, vector<1x16xf32>,
        %parallel_loop3A_452 = vector.shape_cast %parallel_loop3A_451 : vector<1x16xf32> to vector<16xf32>
        %parallel_loop3A_453 = arith.addf %parallel_loop3A_452, %parallel_loop3A_448 : vector<16xf32>
        %parallel_loop3A_454 = arith.index_cast %parallel_loop3A_428 : i32 to index
        %parallel_loop3A_455 = arith.index_cast %parallel_loop3A_444 : i32 to index
        %parallel_loop3A_456 = tpu.vector_load %arg9[%parallel_loop3A_454, %parallel_loop3A_455] {strides = array<i32>} : memref<8x1024xf32, #tpu.memory_space<vmem>>, vector<1x16xf32>,
        %parallel_loop3A_457 = vector.shape_cast %parallel_loop3A_456 : vector<1x16xf32> to vector<16xf32>
        %parallel_loop3A_458 = vector.shape_cast %parallel_loop3A_453 : vector<16xf32> to vector<1x16xf32>
        tpu.vector_store %arg9[%parallel_loop3A_454, %parallel_loop3A_455], %parallel_loop3A_458 {strides = array<i32>} : memref<8x1024xf32, #tpu.memory_space<vmem>>, vector<1x16xf32>,
        %parallel_loop3A_459 = arith.index_cast %parallel_loop3A_428 : i32 to index
        %parallel_loop3A_460 = arith.index_cast %parallel_loop3A_444 : i32 to index
        %parallel_loop3A_461 = tpu.vector_load %arg6[%parallel_loop3A_459, %parallel_loop3A_460] {strides = array<i32>} : memref<8x1024xf32, #tpu.memory_space<vmem>>, vector<1x16xf32>,
        %parallel_loop3A_462 = vector.shape_cast %parallel_loop3A_461 : vector<1x16xf32> to vector<16xf32>
        %parallel_loop3A_463 = arith.addf %parallel_loop3A_462, %parallel_loop3A_448 : vector<16xf32>
        %parallel_loop3A_464 = arith.index_cast %parallel_loop3A_428 : i32 to index
        %parallel_loop3A_465 = arith.index_cast %parallel_loop3A_444 : i32 to index
        %parallel_loop3A_466 = tpu.vector_load %arg10[%parallel_loop3A_464, %parallel_loop3A_465] {strides = array<i32>} : memref<8x1024xf32, #tpu.memory_space<vmem>>, vector<1x16xf32>,
        %parallel_loop3A_467 = vector.shape_cast %parallel_loop3A_466 : vector<1x16xf32> to vector<16xf32>
        %parallel_loop3A_468 = vector.shape_cast %parallel_loop3A_463 : vector<16xf32> to vector<1x16xf32>
        tpu.vector_store %arg10[%parallel_loop3A_464, %parallel_loop3A_465], %parallel_loop3A_468 {strides = array<i32>} : memref<8x1024xf32, #tpu.memory_space<vmem>>, vector<1x16xf32>,
      } {sc.loop_unroll_factor = 16 : i64, sc.parallel_access}
      %mul3A_125 = arith.constant 8 : i32
      %mul3A_126 = arith.muli %add3A_93, %mul3A_125 : i32
      %add3A_127 = arith.addi %mul3A_2, %mul3A_126 : i32
      %dma_start3A_128 = arith.constant 0 : i32
      %dma_start3A_129 = arith.constant 0 : i32
      %dma_start3A_130 = tpu.memref_slice %arg4[%dma_start3A_128, %add3A_127, %dma_start3A_129] : memref<4x4096x1024xf32, #tpu.memory_space<hbm>> -> memref<1x8x1024xf32, #tpu.memory_space<hbm>>
      %dma_start3A_131 = tpu.memref_squeeze %dma_start3A_130 : memref<1x8x1024xf32, #tpu.memory_space<hbm>> -> memref<8x1024xf32, #tpu.memory_space<hbm>>
      %dma_start3A_132 = arith.constant 0 : i32
      %dma_start3A_133 = tpu.memref_slice %arg4[%dma_start3A_128, %add3A_127, %dma_start3A_132] : memref<4x4096x1024xf32, #tpu.memory_space<hbm>> -> memref<1x8x1024xf32, #tpu.memory_space<hbm>>
      %dma_start3A_134 = tpu.memref_squeeze %dma_start3A_133 : memref<1x8x1024xf32, #tpu.memory_space<hbm>> -> memref<8x1024xf32, #tpu.memory_space<hbm>>
      tpu.enqueue_dma source(%arg9 : memref<8x1024xf32, #tpu.memory_space<vmem>>) target(%dma_start3A_134 : memref<8x1024xf32, #tpu.memory_space<hbm>>) target_semaphore(%arg19 : memref<!tpu.dma_semaphore, #tpu.memory_space<semaphore_mem>>)
      %mul3A_135 = arith.constant 8 : i32
      %mul3A_136 = arith.muli %add3A_93, %mul3A_135 : i32
      %add3A_137 = arith.addi %mul3A_2, %mul3A_136 : i32
      %dma_start3A_138 = arith.constant 1 : i32
      %dma_start3A_139 = arith.constant 0 : i32
      %dma_start3A_140 = tpu.memref_slice %arg4[%dma_start3A_138, %add3A_137, %dma_start3A_139] : memref<4x4096x1024xf32, #tpu.memory_space<hbm>> -> memref<1x8x1024xf32, #tpu.memory_space<hbm>>
      %dma_start3A_141 = tpu.memref_squeeze %dma_start3A_140 : memref<1x8x1024xf32, #tpu.memory_space<hbm>> -> memref<8x1024xf32, #tpu.memory_space<hbm>>
      %dma_start3A_142 = arith.constant 0 : i32
      %dma_start3A_143 = tpu.memref_slice %arg4[%dma_start3A_138, %add3A_137, %dma_start3A_142] : memref<4x4096x1024xf32, #tpu.memory_space<hbm>> -> memref<1x8x1024xf32, #tpu.memory_space<hbm>>
      %dma_start3A_144 = tpu.memref_squeeze %dma_start3A_143 : memref<1x8x1024xf32, #tpu.memory_space<hbm>> -> memref<8x1024xf32, #tpu.memory_space<hbm>>
      tpu.enqueue_dma source(%arg10 : memref<8x1024xf32, #tpu.memory_space<vmem>>) target(%dma_start3A_144 : memref<8x1024xf32, #tpu.memory_space<hbm>>) target_semaphore(%arg20 : memref<!tpu.dma_semaphore, #tpu.memory_space<semaphore_mem>>)
      %add3A_145 = arith.constant 1 : i32
      %add3A_146 = arith.addi %add3A_93, %add3A_145 : i32
      %mul3A_147 = arith.constant 8 : i32
      %mul3A_148 = arith.muli %add3A_146, %mul3A_147 : i32
      %add3A_149 = arith.addi %mul3A_2, %mul3A_148 : i32
      %dma_start3A_150 = arith.constant 0 : i32
      %dma_start3A_151 = arith.constant 0 : i32
      %dma_start3A_152 = tpu.memref_slice %arg2[%dma_start3A_150, %add3A_149, %dma_start3A_151] : memref<4x4096x1024xf32, #tpu.memory_space<hbm>> -> memref<1x8x1024xf32, #tpu.memory_space<hbm>>
      %dma_start3A_153 = tpu.memref_squeeze %dma_start3A_152 : memref<1x8x1024xf32, #tpu.memory_space<hbm>> -> memref<8x1024xf32, #tpu.memory_space<hbm>>
      %dma_start3A_154 = arith.constant 0 : i32
      %dma_start3A_155 = tpu.memref_slice %arg2[%dma_start3A_150, %add3A_149, %dma_start3A_154] : memref<4x4096x1024xf32, #tpu.memory_space<hbm>> -> memref<1x8x1024xf32, #tpu.memory_space<hbm>>
      %dma_start3A_156 = tpu.memref_squeeze %dma_start3A_155 : memref<1x8x1024xf32, #tpu.memory_space<hbm>> -> memref<8x1024xf32, #tpu.memory_space<hbm>>
      tpu.enqueue_dma source(%dma_start3A_156 : memref<8x1024xf32, #tpu.memory_space<hbm>>) target(%arg5 : memref<8x1024xf32, #tpu.memory_space<vmem>>) target_semaphore(%arg15 : memref<!tpu.dma_semaphore, #tpu.memory_space<semaphore_mem>>)
      %add3A_157 = arith.constant 1 : i32
      %add3A_158 = arith.addi %add3A_93, %add3A_157 : i32
      %mul3A_159 = arith.constant 8 : i32
      %mul3A_160 = arith.muli %add3A_158, %mul3A_159 : i32
      %add3A_161 = arith.addi %mul3A_2, %mul3A_160 : i32
      %dma_start3A_162 = arith.constant 1 : i32
      %dma_start3A_163 = arith.constant 0 : i32
      %dma_start3A_164 = tpu.memref_slice %arg2[%dma_start3A_162, %add3A_161, %dma_start3A_163] : memref<4x4096x1024xf32, #tpu.memory_space<hbm>> -> memref<1x8x1024xf32, #tpu.memory_space<hbm>>
      %dma_start3A_165 = tpu.memref_squeeze %dma_start3A_164 : memref<1x8x1024xf32, #tpu.memory_space<hbm>> -> memref<8x1024xf32, #tpu.memory_space<hbm>>
      %dma_start3A_166 = arith.constant 0 : i32
      %dma_start3A_167 = tpu.memref_slice %arg2[%dma_start3A_162, %add3A_161, %dma_start3A_166] : memref<4x4096x1024xf32, #tpu.memory_space<hbm>> -> memref<1x8x1024xf32, #tpu.memory_space<hbm>>
      %dma_start3A_168 = tpu.memref_squeeze %dma_start3A_167 : memref<1x8x1024xf32, #tpu.memory_space<hbm>> -> memref<8x1024xf32, #tpu.memory_space<hbm>>
      tpu.enqueue_dma source(%dma_start3A_168 : memref<8x1024xf32, #tpu.memory_space<hbm>>) target(%arg6 : memref<8x1024xf32, #tpu.memory_space<vmem>>) target_semaphore(%arg16 : memref<!tpu.dma_semaphore, #tpu.memory_space<semaphore_mem>>)
      %mul3A_169 = arith.constant 8 : i32
      %mul3A_170 = arith.muli %add3A_93, %mul3A_169 : i32
      %add3A_171 = arith.addi %mul3A_2, %mul3A_170 : i32
      %dma_wait3A_172 = arith.constant 2 : i32
      %dma_wait3A_173 = arith.constant 0 : i32
      %dma_wait3A_174 = tpu.memref_slice %arg2[%dma_wait3A_172, %add3A_171, %dma_wait3A_173] : memref<4x4096x1024xf32, #tpu.memory_space<hbm>> -> memref<1x8x1024xf32, #tpu.memory_space<hbm>>
      %dma_wait3A_175 = tpu.memref_squeeze %dma_wait3A_174 : memref<1x8x1024xf32, #tpu.memory_space<hbm>> -> memref<8x1024xf32, #tpu.memory_space<hbm>>
      %dma_wait3A_176 = arith.constant 0 : i32
      %dma_wait3A_177 = tpu.memref_slice %arg2[%dma_wait3A_172, %add3A_171, %dma_wait3A_176] : memref<4x4096x1024xf32, #tpu.memory_space<hbm>> -> memref<1x8x1024xf32, #tpu.memory_space<hbm>>
      %dma_wait3A_178 = tpu.memref_squeeze %dma_wait3A_177 : memref<1x8x1024xf32, #tpu.memory_space<hbm>> -> memref<8x1024xf32, #tpu.memory_space<hbm>>
      tpu.wait_dma2 semaphore(%arg17 : memref<!tpu.dma_semaphore, #tpu.memory_space<semaphore_mem>>) src(%dma_wait3A_178 : memref<8x1024xf32, #tpu.memory_space<hbm>>) dst(%arg7 : memref<8x1024xf32, #tpu.memory_space<vmem>>)
      %mul3A_179 = arith.constant 8 : i32
      %mul3A_180 = arith.muli %add3A_93, %mul3A_179 : i32
      %add3A_181 = arith.addi %mul3A_2, %mul3A_180 : i32
      %dma_wait3A_182 = arith.constant 3 : i32
      %dma_wait3A_183 = arith.constant 0 : i32
      %dma_wait3A_184 = tpu.memref_slice %arg2[%dma_wait3A_182, %add3A_181, %dma_wait3A_183] : memref<4x4096x1024xf32, #tpu.memory_space<hbm>> -> memref<1x8x1024xf32, #tpu.memory_space<hbm>>
      %dma_wait3A_185 = tpu.memref_squeeze %dma_wait3A_184 : memref<1x8x1024xf32, #tpu.memory_space<hbm>> -> memref<8x1024xf32, #tpu.memory_space<hbm>>
      %dma_wait3A_186 = arith.constant 0 : i32
      %dma_wait3A_187 = tpu.memref_slice %arg2[%dma_wait3A_182, %add3A_181, %dma_wait3A_186] : memref<4x4096x1024xf32, #tpu.memory_space<hbm>> -> memref<1x8x1024xf32, #tpu.memory_space<hbm>>
      %dma_wait3A_188 = tpu.memref_squeeze %dma_wait3A_187 : memref<1x8x1024xf32, #tpu.memory_space<hbm>> -> memref<8x1024xf32, #tpu.memory_space<hbm>>
      tpu.wait_dma2 semaphore(%arg18 : memref<!tpu.dma_semaphore, #tpu.memory_space<semaphore_mem>>) src(%dma_wait3A_188 : memref<8x1024xf32, #tpu.memory_space<hbm>>) dst(%arg8 : memref<8x1024xf32, #tpu.memory_space<vmem>>)
      %gt3A_189 = arith.constant 0 : i32
      %gt3A_190 = arith.cmpi sgt, %scan3A_89, %gt3A_189 : i32
      %convert_element_type3A_191 = arith.extui %gt3A_190 : i1 to i32
      %cond3A_192 = arith.constant 0 : i32
      %cond3A_193 = arith.cmpi ne, %convert_element_type3A_191, %cond3A_192 : i32
      scf.if %cond3A_193 {
        %sub3A_404 = arith.constant 1 : i32
        %sub3A_405 = arith.subi %add3A_93, %sub3A_404 : i32
        %mul3A_406 = arith.constant 8 : i32
        %mul3A_407 = arith.muli %sub3A_405, %mul3A_406 : i32
        %add3A_408 = arith.addi %mul3A_2, %mul3A_407 : i32
        %dma_wait3A_409 = arith.constant 2 : i32
        %dma_wait3A_410 = arith.constant 0 : i32
        %dma_wait3A_411 = tpu.memref_slice %arg4[%dma_wait3A_409, %add3A_408, %dma_wait3A_410] : memref<4x4096x1024xf32, #tpu.memory_space<hbm>> -> memref<1x8x1024xf32, #tpu.memory_space<hbm>>
        %dma_wait3A_412 = tpu.memref_squeeze %dma_wait3A_411 : memref<1x8x1024xf32, #tpu.memory_space<hbm>> -> memref<8x1024xf32, #tpu.memory_space<hbm>>
        %dma_wait3A_413 = arith.constant 0 : i32
        %dma_wait3A_414 = tpu.memref_slice %arg4[%dma_wait3A_409, %add3A_408, %dma_wait3A_413] : memref<4x4096x1024xf32, #tpu.memory_space<hbm>> -> memref<1x8x1024xf32, #tpu.memory_space<hbm>>
        %dma_wait3A_415 = tpu.memref_squeeze %dma_wait3A_414 : memref<1x8x1024xf32, #tpu.memory_space<hbm>> -> memref<8x1024xf32, #tpu.memory_space<hbm>>
        tpu.wait_dma2 semaphore(%arg21 : memref<!tpu.dma_semaphore, #tpu.memory_space<semaphore_mem>>) src(%arg11 : memref<8x1024xf32, #tpu.memory_space<vmem>>) dst(%dma_wait3A_415 : memref<8x1024xf32, #tpu.memory_space<hbm>>)
        %sub3A_416 = arith.constant 1 : i32
        %sub3A_417 = arith.subi %add3A_93, %sub3A_416 : i32
        %mul3A_418 = arith.constant 8 : i32
        %mul3A_419 = arith.muli %sub3A_417, %mul3A_418 : i32
        %add3A_420 = arith.addi %mul3A_2, %mul3A_419 : i32
        %dma_wait3A_421 = arith.constant 3 : i32
        %dma_wait3A_422 = arith.constant 0 : i32
        %dma_wait3A_423 = tpu.memref_slice %arg4[%dma_wait3A_421, %add3A_420, %dma_wait3A_422] : memref<4x4096x1024xf32, #tpu.memory_space<hbm>> -> memref<1x8x1024xf32, #tpu.memory_space<hbm>>
        %dma_wait3A_424 = tpu.memref_squeeze %dma_wait3A_423 : memref<1x8x1024xf32, #tpu.memory_space<hbm>> -> memref<8x1024xf32, #tpu.memory_space<hbm>>
        %dma_wait3A_425 = arith.constant 0 : i32
        %dma_wait3A_426 = tpu.memref_slice %arg4[%dma_wait3A_421, %add3A_420, %dma_wait3A_425] : memref<4x4096x1024xf32, #tpu.memory_space<hbm>> -> memref<1x8x1024xf32, #tpu.memory_space<hbm>>
        %dma_wait3A_427 = tpu.memref_squeeze %dma_wait3A_426 : memref<1x8x1024xf32, #tpu.memory_space<hbm>> -> memref<8x1024xf32, #tpu.memory_space<hbm>>
        tpu.wait_dma2 semaphore(%arg22 : memref<!tpu.dma_semaphore, #tpu.memory_space<semaphore_mem>>) src(%arg12 : memref<8x1024xf32, #tpu.memory_space<vmem>>) dst(%dma_wait3A_427 : memref<8x1024xf32, #tpu.memory_space<hbm>>)
      } else {
      }
      %parallel_loop3A_194 = arith.constant 0 : i32
      %parallel_loop3A_195 = arith.constant 8192 : i32
      %parallel_loop3A_196 = arith.constant 16 : i32
      scf.for %parallel_loop3A_404 = %parallel_loop3A_194 to %parallel_loop3A_195 step %parallel_loop3A_196  : i32 {
        %parallel_loop3A_405 = arith.constant 1024 : i32
        %parallel_loop3A_406 = arith.divsi %parallel_loop3A_404, %parallel_loop3A_405 : i32
        %parallel_loop3A_407 = arith.constant 0 : i32
        %parallel_loop3A_408 = arith.cmpi sgt, %parallel_loop3A_404, %parallel_loop3A_407 : i32
        %parallel_loop3A_409 = arith.extui %parallel_loop3A_408 : i1 to i32
        %parallel_loop3A_410 = arith.constant 0 : i32
        %parallel_loop3A_411 = arith.cmpi slt, %parallel_loop3A_404, %parallel_loop3A_410 : i32
        %parallel_loop3A_412 = arith.extui %parallel_loop3A_411 : i1 to i32
        %parallel_loop3A_413 = arith.subi %parallel_loop3A_409, %parallel_loop3A_412 : i32
        %parallel_loop3A_414 = arith.constant 0 : i32
        %parallel_loop3A_415 = arith.cmpi sgt, %parallel_loop3A_405, %parallel_loop3A_414 : i32
        %parallel_loop3A_416 = arith.extui %parallel_loop3A_415 : i1 to i32
        %parallel_loop3A_417 = arith.constant 0 : i32
        %parallel_loop3A_418 = arith.cmpi slt, %parallel_loop3A_405, %parallel_loop3A_417 : i32
        %parallel_loop3A_419 = arith.extui %parallel_loop3A_418 : i1 to i32
        %parallel_loop3A_420 = arith.subi %parallel_loop3A_416, %parallel_loop3A_419 : i32
        %parallel_loop3A_421 = arith.cmpi ne, %parallel_loop3A_413, %parallel_loop3A_420 : i32
        %parallel_loop3A_422 = arith.remsi %parallel_loop3A_404, %parallel_loop3A_405 : i32
        %parallel_loop3A_423 = arith.constant 0 : i32
        %parallel_loop3A_424 = arith.cmpi ne, %parallel_loop3A_422, %parallel_loop3A_423 : i32
        %parallel_loop3A_425 = arith.andi %parallel_loop3A_421, %parallel_loop3A_424 : i1
        %parallel_loop3A_426 = arith.constant 1 : i32
        %parallel_loop3A_427 = arith.subi %parallel_loop3A_406, %parallel_loop3A_426 : i32
        %parallel_loop3A_428 = arith.select %parallel_loop3A_425, %parallel_loop3A_427, %parallel_loop3A_406 : i32
        %parallel_loop3A_429 = arith.constant 1024 : i32
        %parallel_loop3A_430 = arith.constant 0 : i32
        %parallel_loop3A_431 = arith.cmpi eq, %parallel_loop3A_429, %parallel_loop3A_430 : i32
        %parallel_loop3A_432 = arith.constant 1 : i32
        %parallel_loop3A_433 = arith.select %parallel_loop3A_431, %parallel_loop3A_432, %parallel_loop3A_429 : i32
        %parallel_loop3A_434 = arith.remsi %parallel_loop3A_404, %parallel_loop3A_433 : i32
        %parallel_loop3A_435 = arith.constant 0 : i32
        %parallel_loop3A_436 = arith.cmpi ne, %parallel_loop3A_434, %parallel_loop3A_435 : i32
        %parallel_loop3A_437 = arith.constant 0 : i32
        %parallel_loop3A_438 = arith.cmpi slt, %parallel_loop3A_434, %parallel_loop3A_437 : i32
        %parallel_loop3A_439 = arith.constant 0 : i32
        %parallel_loop3A_440 = arith.cmpi slt, %parallel_loop3A_433, %parallel_loop3A_439 : i32
        %parallel_loop3A_441 = arith.xori %parallel_loop3A_438, %parallel_loop3A_440 : i1
        %parallel_loop3A_442 = arith.andi %parallel_loop3A_441, %parallel_loop3A_436 : i1
        %parallel_loop3A_443 = arith.addi %parallel_loop3A_434, %parallel_loop3A_433 : i32
        %parallel_loop3A_444 = arith.select %parallel_loop3A_442, %parallel_loop3A_443, %parallel_loop3A_434 : i32
        %parallel_loop3A_445 = arith.index_cast %parallel_loop3A_428 : i32 to index
        %parallel_loop3A_446 = arith.index_cast %parallel_loop3A_444 : i32 to index
        %parallel_loop3A_447 = tpu.vector_load %arg13[%parallel_loop3A_445, %parallel_loop3A_446] {strides = array<i32>} : memref<8x1024xf32, #tpu.memory_space<vmem>>, vector<1x16xf32>,
        %parallel_loop3A_448 = vector.shape_cast %parallel_loop3A_447 : vector<1x16xf32> to vector<16xf32>
        %parallel_loop3A_449 = arith.index_cast %parallel_loop3A_428 : i32 to index
        %parallel_loop3A_450 = arith.index_cast %parallel_loop3A_444 : i32 to index
        %parallel_loop3A_451 = tpu.vector_load %arg7[%parallel_loop3A_449, %parallel_loop3A_450] {strides = array<i32>} : memref<8x1024xf32, #tpu.memory_space<vmem>>, vector<1x16xf32>,
        %parallel_loop3A_452 = vector.shape_cast %parallel_loop3A_451 : vector<1x16xf32> to vector<16xf32>
        %parallel_loop3A_453 = arith.addf %parallel_loop3A_452, %parallel_loop3A_448 : vector<16xf32>
        %parallel_loop3A_454 = arith.index_cast %parallel_loop3A_428 : i32 to index
        %parallel_loop3A_455 = arith.index_cast %parallel_loop3A_444 : i32 to index
        %parallel_loop3A_456 = tpu.vector_load %arg11[%parallel_loop3A_454, %parallel_loop3A_455] {strides = array<i32>} : memref<8x1024xf32, #tpu.memory_space<vmem>>, vector<1x16xf32>,
        %parallel_loop3A_457 = vector.shape_cast %parallel_loop3A_456 : vector<1x16xf32> to vector<16xf32>
        %parallel_loop3A_458 = vector.shape_cast %parallel_loop3A_453 : vector<16xf32> to vector<1x16xf32>
        tpu.vector_store %arg11[%parallel_loop3A_454, %parallel_loop3A_455], %parallel_loop3A_458 {strides = array<i32>} : memref<8x1024xf32, #tpu.memory_space<vmem>>, vector<1x16xf32>,
        %parallel_loop3A_459 = arith.index_cast %parallel_loop3A_428 : i32 to index
        %parallel_loop3A_460 = arith.index_cast %parallel_loop3A_444 : i32 to index
        %parallel_loop3A_461 = tpu.vector_load %arg8[%parallel_loop3A_459, %parallel_loop3A_460] {strides = array<i32>} : memref<8x1024xf32, #tpu.memory_space<vmem>>, vector<1x16xf32>,
        %parallel_loop3A_462 = vector.shape_cast %parallel_loop3A_461 : vector<1x16xf32> to vector<16xf32>
        %parallel_loop3A_463 = arith.addf %parallel_loop3A_462, %parallel_loop3A_448 : vector<16xf32>
        %parallel_loop3A_464 = arith.index_cast %parallel_loop3A_428 : i32 to index
        %parallel_loop3A_465 = arith.index_cast %parallel_loop3A_444 : i32 to index
        %parallel_loop3A_466 = tpu.vector_load %arg12[%parallel_loop3A_464, %parallel_loop3A_465] {strides = array<i32>} : memref<8x1024xf32, #tpu.memory_space<vmem>>, vector<1x16xf32>,
        %parallel_loop3A_467 = vector.shape_cast %parallel_loop3A_466 : vector<1x16xf32> to vector<16xf32>
        %parallel_loop3A_468 = vector.shape_cast %parallel_loop3A_463 : vector<16xf32> to vector<1x16xf32>
        tpu.vector_store %arg12[%parallel_loop3A_464, %parallel_loop3A_465], %parallel_loop3A_468 {strides = array<i32>} : memref<8x1024xf32, #tpu.memory_space<vmem>>, vector<1x16xf32>,
      } {sc.loop_unroll_factor = 16 : i64, sc.parallel_access}
      %mul3A_197 = arith.constant 8 : i32
      %mul3A_198 = arith.muli %add3A_93, %mul3A_197 : i32
      %add3A_199 = arith.addi %mul3A_2, %mul3A_198 : i32
      %dma_start3A_200 = arith.constant 2 : i32
      %dma_start3A_201 = arith.constant 0 : i32
      %dma_start3A_202 = tpu.memref_slice %arg4[%dma_start3A_200, %add3A_199, %dma_start3A_201] : memref<4x4096x1024xf32, #tpu.memory_space<hbm>> -> memref<1x8x1024xf32, #tpu.memory_space<hbm>>
      %dma_start3A_203 = tpu.memref_squeeze %dma_start3A_202 : memref<1x8x1024xf32, #tpu.memory_space<hbm>> -> memref<8x1024xf32, #tpu.memory_space<hbm>>
      %dma_start3A_204 = arith.constant 0 : i32
      %dma_start3A_205 = tpu.memref_slice %arg4[%dma_start3A_200, %add3A_199, %dma_start3A_204] : memref<4x4096x1024xf32, #tpu.memory_space<hbm>> -> memref<1x8x1024xf32, #tpu.memory_space<hbm>>
      %dma_start3A_206 = tpu.memref_squeeze %dma_start3A_205 : memref<1x8x1024xf32, #tpu.memory_space<hbm>> -> memref<8x1024xf32, #tpu.memory_space<hbm>>
      tpu.enqueue_dma source(%arg11 : memref<8x1024xf32, #tpu.memory_space<vmem>>) target(%dma_start3A_206 : memref<8x1024xf32, #tpu.memory_space<hbm>>) target_semaphore(%arg21 : memref<!tpu.dma_semaphore, #tpu.memory_space<semaphore_mem>>)
      %mul3A_207 = arith.constant 8 : i32
      %mul3A_208 = arith.muli %add3A_93, %mul3A_207 : i32
      %add3A_209 = arith.addi %mul3A_2, %mul3A_208 : i32
      %dma_start3A_210 = arith.constant 3 : i32
      %dma_start3A_211 = arith.constant 0 : i32
      %dma_start3A_212 = tpu.memref_slice %arg4[%dma_start3A_210, %add3A_209, %dma_start3A_211] : memref<4x4096x1024xf32, #tpu.memory_space<hbm>> -> memref<1x8x1024xf32, #tpu.memory_space<hbm>>
      %dma_start3A_213 = tpu.memref_squeeze %dma_start3A_212 : memref<1x8x1024xf32, #tpu.memory_space<hbm>> -> memref<8x1024xf32, #tpu.memory_space<hbm>>
      %dma_start3A_214 = arith.constant 0 : i32
      %dma_start3A_215 = tpu.memref_slice %arg4[%dma_start3A_210, %add3A_209, %dma_start3A_214] : memref<4x4096x1024xf32, #tpu.memory_space<hbm>> -> memref<1x8x1024xf32, #tpu.memory_space<hbm>>
      %dma_start3A_216 = tpu.memref_squeeze %dma_start3A_215 : memref<1x8x1024xf32, #tpu.memory_space<hbm>> -> memref<8x1024xf32, #tpu.memory_space<hbm>>
      tpu.enqueue_dma source(%arg12 : memref<8x1024xf32, #tpu.memory_space<vmem>>) target(%dma_start3A_216 : memref<8x1024xf32, #tpu.memory_space<hbm>>) target_semaphore(%arg22 : memref<!tpu.dma_semaphore, #tpu.memory_space<semaphore_mem>>)
      %add3A_217 = arith.constant 1 : i32
      %add3A_218 = arith.addi %add3A_93, %add3A_217 : i32
      %mul3A_219 = arith.constant 8 : i32
      %mul3A_220 = arith.muli %add3A_218, %mul3A_219 : i32
      %add3A_221 = arith.addi %mul3A_2, %mul3A_220 : i32
      %dma_start3A_222 = arith.constant 2 : i32
      %dma_start3A_223 = arith.constant 0 : i32
      %dma_start3A_224 = tpu.memref_slice %arg2[%dma_start3A_222, %add3A_221, %dma_start3A_223] : memref<4x4096x1024xf32, #tpu.memory_space<hbm>> -> memref<1x8x1024xf32, #tpu.memory_space<hbm>>
      %dma_start3A_225 = tpu.memref_squeeze %dma_start3A_224 : memref<1x8x1024xf32, #tpu.memory_space<hbm>> -> memref<8x1024xf32, #tpu.memory_space<hbm>>
      %dma_start3A_226 = arith.constant 0 : i32
      %dma_start3A_227 = tpu.memref_slice %arg2[%dma_start3A_222, %add3A_221, %dma_start3A_226] : memref<4x4096x1024xf32, #tpu.memory_space<hbm>> -> memref<1x8x1024xf32, #tpu.memory_space<hbm>>
      %dma_start3A_228 = tpu.memref_squeeze %dma_start3A_227 : memref<1x8x1024xf32, #tpu.memory_space<hbm>> -> memref<8x1024xf32, #tpu.memory_space<hbm>>
      tpu.enqueue_dma source(%dma_start3A_228 : memref<8x1024xf32, #tpu.memory_space<hbm>>) target(%arg7 : memref<8x1024xf32, #tpu.memory_space<vmem>>) target_semaphore(%arg17 : memref<!tpu.dma_semaphore, #tpu.memory_space<semaphore_mem>>)
      %add3A_229 = arith.constant 1 : i32
      %add3A_230 = arith.addi %add3A_93, %add3A_229 : i32
      %mul3A_231 = arith.constant 8 : i32
      %mul3A_232 = arith.muli %add3A_230, %mul3A_231 : i32
      %add3A_233 = arith.addi %mul3A_2, %mul3A_232 : i32
      %dma_start3A_234 = arith.constant 3 : i32
      %dma_start3A_235 = arith.constant 0 : i32
      %dma_start3A_236 = tpu.memref_slice %arg2[%dma_start3A_234, %add3A_233, %dma_start3A_235] : memref<4x4096x1024xf32, #tpu.memory_space<hbm>> -> memref<1x8x1024xf32, #tpu.memory_space<hbm>>
      %dma_start3A_237 = tpu.memref_squeeze %dma_start3A_236 : memref<1x8x1024xf32, #tpu.memory_space<hbm>> -> memref<8x1024xf32, #tpu.memory_space<hbm>>
      %dma_start3A_238 = arith.constant 0 : i32
      %dma_start3A_239 = tpu.memref_slice %arg2[%dma_start3A_234, %add3A_233, %dma_start3A_238] : memref<4x4096x1024xf32, #tpu.memory_space<hbm>> -> memref<1x8x1024xf32, #tpu.memory_space<hbm>>
      %dma_start3A_240 = tpu.memref_squeeze %dma_start3A_239 : memref<1x8x1024xf32, #tpu.memory_space<hbm>> -> memref<8x1024xf32, #tpu.memory_space<hbm>>
      tpu.enqueue_dma source(%dma_start3A_240 : memref<8x1024xf32, #tpu.memory_space<hbm>>) target(%arg8 : memref<8x1024xf32, #tpu.memory_space<vmem>>) target_semaphore(%arg18 : memref<!tpu.dma_semaphore, #tpu.memory_space<semaphore_mem>>)
      %lt3A = arith.constant 14 : i32
      %lt3A_241 = arith.cmpi slt, %add3A_93, %lt3A : i32
      %convert_element_type3A_242 = arith.extui %lt3A_241 : i1 to i32
      %cond3A_243 = arith.constant 0 : i32
      %cond3A_244 = arith.cmpi ne, %convert_element_type3A_242, %cond3A_243 : i32
      scf.if %cond3A_244 {
        %add3A_404 = arith.constant 2 : i32
        %add3A_405 = arith.addi %add3A_93, %add3A_404 : i32
        %mul3A_406 = arith.constant 8 : i32
        %mul3A_407 = arith.muli %add3A_405, %mul3A_406 : i32
        %add3A_408 = arith.addi %mul3A_2, %mul3A_407 : i32
        %dma_start3A_409 = arith.constant 0 : i32
        %dma_start3A_410 = tpu.memref_slice %arg3[%add3A_408, %dma_start3A_409] : memref<4096x1024xf32, #tpu.memory_space<hbm>> -> memref<8x1024xf32, #tpu.memory_space<hbm>>
        %dma_start3A_411 = arith.constant 0 : i32
        %dma_start3A_412 = tpu.memref_slice %arg3[%add3A_408, %dma_start3A_411] : memref<4096x1024xf32, #tpu.memory_space<hbm>> -> memref<8x1024xf32, #tpu.memory_space<hbm>>
        tpu.enqueue_dma source(%dma_start3A_412 : memref<8x1024xf32, #tpu.memory_space<hbm>>) target(%arg13 : memref<8x1024xf32, #tpu.memory_space<vmem>>) target_semaphore(%arg23 : memref<!tpu.dma_semaphore, #tpu.memory_space<semaphore_mem>>)
      } else {
      }
      %mul3A_245 = arith.constant 2 : i32
      %mul3A_246 = arith.muli %mul3A_245, %scan3A_89 : i32
      %add3A_247 = arith.constant 1 : i32
      %add3A_248 = arith.addi %mul3A_246, %add3A_247 : i32
      %mul3A_249 = arith.constant 8 : i32
      %mul3A_250 = arith.muli %add3A_248, %mul3A_249 : i32
      %add3A_251 = arith.addi %mul3A_2, %mul3A_250 : i32
      %dma_wait3A_252 = arith.constant 0 : i32
      %dma_wait3A_253 = tpu.memref_slice %arg3[%add3A_251, %dma_wait3A_252] : memref<4096x1024xf32, #tpu.memory_space<hbm>> -> memref<8x1024xf32, #tpu.memory_space<hbm>>
      %dma_wait3A_254 = arith.constant 0 : i32
      %dma_wait3A_255 = tpu.memref_slice %arg3[%add3A_251, %dma_wait3A_254] : memref<4096x1024xf32, #tpu.memory_space<hbm>> -> memref<8x1024xf32, #tpu.memory_space<hbm>>
      tpu.wait_dma2 semaphore(%arg24 : memref<!tpu.dma_semaphore, #tpu.memory_space<semaphore_mem>>) src(%dma_wait3A_255 : memref<8x1024xf32, #tpu.memory_space<hbm>>) dst(%arg14 : memref<8x1024xf32, #tpu.memory_space<vmem>>)
      %mul3A_256 = arith.constant 8 : i32
      %mul3A_257 = arith.muli %add3A_248, %mul3A_256 : i32
      %add3A_258 = arith.addi %mul3A_2, %mul3A_257 : i32
      %dma_wait3A_259 = arith.constant 0 : i32
      %dma_wait3A_260 = arith.constant 0 : i32
      %dma_wait3A_261 = tpu.memref_slice %arg2[%dma_wait3A_259, %add3A_258, %dma_wait3A_260] : memref<4x4096x1024xf32, #tpu.memory_space<hbm>> -> memref<1x8x1024xf32, #tpu.memory_space<hbm>>
      %dma_wait3A_262 = tpu.memref_squeeze %dma_wait3A_261 : memref<1x8x1024xf32, #tpu.memory_space<hbm>> -> memref<8x1024xf32, #tpu.memory_space<hbm>>
      %dma_wait3A_263 = arith.constant 0 : i32
      %dma_wait3A_264 = tpu.memref_slice %arg2[%dma_wait3A_259, %add3A_258, %dma_wait3A_263] : memref<4x4096x1024xf32, #tpu.memory_space<hbm>> -> memref<1x8x1024xf32, #tpu.memory_space<hbm>>
      %dma_wait3A_265 = tpu.memref_squeeze %dma_wait3A_264 : memref<1x8x1024xf32, #tpu.memory_space<hbm>> -> memref<8x1024xf32, #tpu.memory_space<hbm>>
      tpu.wait_dma2 semaphore(%arg15 : memref<!tpu.dma_semaphore, #tpu.memory_space<semaphore_mem>>) src(%dma_wait3A_265 : memref<8x1024xf32, #tpu.memory_space<hbm>>) dst(%arg5 : memref<8x1024xf32, #tpu.memory_space<vmem>>)
      %mul3A_266 = arith.constant 8 : i32
      %mul3A_267 = arith.muli %add3A_248, %mul3A_266 : i32
      %add3A_268 = arith.addi %mul3A_2, %mul3A_267 : i32
      %dma_wait3A_269 = arith.constant 1 : i32
      %dma_wait3A_270 = arith.constant 0 : i32
      %dma_wait3A_271 = tpu.memref_slice %arg2[%dma_wait3A_269, %add3A_268, %dma_wait3A_270] : memref<4x4096x1024xf32, #tpu.memory_space<hbm>> -> memref<1x8x1024xf32, #tpu.memory_space<hbm>>
      %dma_wait3A_272 = tpu.memref_squeeze %dma_wait3A_271 : memref<1x8x1024xf32, #tpu.memory_space<hbm>> -> memref<8x1024xf32, #tpu.memory_space<hbm>>
      %dma_wait3A_273 = arith.constant 0 : i32
      %dma_wait3A_274 = tpu.memref_slice %arg2[%dma_wait3A_269, %add3A_268, %dma_wait3A_273] : memref<4x4096x1024xf32, #tpu.memory_space<hbm>> -> memref<1x8x1024xf32, #tpu.memory_space<hbm>>
      %dma_wait3A_275 = tpu.memref_squeeze %dma_wait3A_274 : memref<1x8x1024xf32, #tpu.memory_space<hbm>> -> memref<8x1024xf32, #tpu.memory_space<hbm>>
      tpu.wait_dma2 semaphore(%arg16 : memref<!tpu.dma_semaphore, #tpu.memory_space<semaphore_mem>>) src(%dma_wait3A_275 : memref<8x1024xf32, #tpu.memory_space<hbm>>) dst(%arg6 : memref<8x1024xf32, #tpu.memory_space<vmem>>)
      %sub3A = arith.constant 1 : i32
      %sub3A_276 = arith.subi %add3A_248, %sub3A : i32
      %mul3A_277 = arith.constant 8 : i32
      %mul3A_278 = arith.muli %sub3A_276, %mul3A_277 : i32
      %add3A_279 = arith.addi %mul3A_2, %mul3A_278 : i32
      %dma_wait3A_280 = arith.constant 0 : i32
      %dma_wait3A_281 = arith.constant 0 : i32
      %dma_wait3A_282 = tpu.memref_slice %arg4[%dma_wait3A_280, %add3A_279, %dma_wait3A_281] : memref<4x4096x1024xf32, #tpu.memory_space<hbm>> -> memref<1x8x1024xf32, #tpu.memory_space<hbm>>
      %dma_wait3A_283 = tpu.memref_squeeze %dma_wait3A_282 : memref<1x8x1024xf32, #tpu.memory_space<hbm>> -> memref<8x1024xf32, #tpu.memory_space<hbm>>
      %dma_wait3A_284 = arith.constant 0 : i32
      %dma_wait3A_285 = tpu.memref_slice %arg4[%dma_wait3A_280, %add3A_279, %dma_wait3A_284] : memref<4x4096x1024xf32, #tpu.memory_space<hbm>> -> memref<1x8x1024xf32, #tpu.memory_space<hbm>>
      %dma_wait3A_286 = tpu.memref_squeeze %dma_wait3A_285 : memref<1x8x1024xf32, #tpu.memory_space<hbm>> -> memref<8x1024xf32, #tpu.memory_space<hbm>>
      tpu.wait_dma2 semaphore(%arg19 : memref<!tpu.dma_semaphore, #tpu.memory_space<semaphore_mem>>) src(%arg9 : memref<8x1024xf32, #tpu.memory_space<vmem>>) dst(%dma_wait3A_286 : memref<8x1024xf32, #tpu.memory_space<hbm>>)
      %sub3A_287 = arith.constant 1 : i32
      %sub3A_288 = arith.subi %add3A_248, %sub3A_287 : i32
      %mul3A_289 = arith.constant 8 : i32
      %mul3A_290 = arith.muli %sub3A_288, %mul3A_289 : i32
      %add3A_291 = arith.addi %mul3A_2, %mul3A_290 : i32
      %dma_wait3A_292 = arith.constant 1 : i32
      %dma_wait3A_293 = arith.constant 0 : i32
      %dma_wait3A_294 = tpu.memref_slice %arg4[%dma_wait3A_292, %add3A_291, %dma_wait3A_293] : memref<4x4096x1024xf32, #tpu.memory_space<hbm>> -> memref<1x8x1024xf32, #tpu.memory_space<hbm>>
      %dma_wait3A_295 = tpu.memref_squeeze %dma_wait3A_294 : memref<1x8x1024xf32, #tpu.memory_space<hbm>> -> memref<8x1024xf32, #tpu.memory_space<hbm>>
      %dma_wait3A_296 = arith.constant 0 : i32
      %dma_wait3A_297 = tpu.memref_slice %arg4[%dma_wait3A_292, %add3A_291, %dma_wait3A_296] : memref<4x4096x1024xf32, #tpu.memory_space<hbm>> -> memref<1x8x1024xf32, #tpu.memory_space<hbm>>
      %dma_wait3A_298 = tpu.memref_squeeze %dma_wait3A_297 : memref<1x8x1024xf32, #tpu.memory_space<hbm>> -> memref<8x1024xf32, #tpu.memory_space<hbm>>
      tpu.wait_dma2 semaphore(%arg20 : memref<!tpu.dma_semaphore, #tpu.memory_space<semaphore_mem>>) src(%arg10 : memref<8x1024xf32, #tpu.memory_space<vmem>>) dst(%dma_wait3A_298 : memref<8x1024xf32, #tpu.memory_space<hbm>>)
      %parallel_loop3A_299 = arith.constant 0 : i32
      %parallel_loop3A_300 = arith.constant 8192 : i32
      %parallel_loop3A_301 = arith.constant 16 : i32
      scf.for %parallel_loop3A_404 = %parallel_loop3A_299 to %parallel_loop3A_300 step %parallel_loop3A_301  : i32 {
        %parallel_loop3A_405 = arith.constant 1024 : i32
        %parallel_loop3A_406 = arith.divsi %parallel_loop3A_404, %parallel_loop3A_405 : i32
        %parallel_loop3A_407 = arith.constant 0 : i32
        %parallel_loop3A_408 = arith.cmpi sgt, %parallel_loop3A_404, %parallel_loop3A_407 : i32
        %parallel_loop3A_409 = arith.extui %parallel_loop3A_408 : i1 to i32
        %parallel_loop3A_410 = arith.constant 0 : i32
        %parallel_loop3A_411 = arith.cmpi slt, %parallel_loop3A_404, %parallel_loop3A_410 : i32
        %parallel_loop3A_412 = arith.extui %parallel_loop3A_411 : i1 to i32
        %parallel_loop3A_413 = arith.subi %parallel_loop3A_409, %parallel_loop3A_412 : i32
        %parallel_loop3A_414 = arith.constant 0 : i32
        %parallel_loop3A_415 = arith.cmpi sgt, %parallel_loop3A_405, %parallel_loop3A_414 : i32
        %parallel_loop3A_416 = arith.extui %parallel_loop3A_415 : i1 to i32
        %parallel_loop3A_417 = arith.constant 0 : i32
        %parallel_loop3A_418 = arith.cmpi slt, %parallel_loop3A_405, %parallel_loop3A_417 : i32
        %parallel_loop3A_419 = arith.extui %parallel_loop3A_418 : i1 to i32
        %parallel_loop3A_420 = arith.subi %parallel_loop3A_416, %parallel_loop3A_419 : i32
        %parallel_loop3A_421 = arith.cmpi ne, %parallel_loop3A_413, %parallel_loop3A_420 : i32
        %parallel_loop3A_422 = arith.remsi %parallel_loop3A_404, %parallel_loop3A_405 : i32
        %parallel_loop3A_423 = arith.constant 0 : i32
        %parallel_loop3A_424 = arith.cmpi ne, %parallel_loop3A_422, %parallel_loop3A_423 : i32
        %parallel_loop3A_425 = arith.andi %parallel_loop3A_421, %parallel_loop3A_424 : i1
        %parallel_loop3A_426 = arith.constant 1 : i32
        %parallel_loop3A_427 = arith.subi %parallel_loop3A_406, %parallel_loop3A_426 : i32
        %parallel_loop3A_428 = arith.select %parallel_loop3A_425, %parallel_loop3A_427, %parallel_loop3A_406 : i32
        %parallel_loop3A_429 = arith.constant 1024 : i32
        %parallel_loop3A_430 = arith.constant 0 : i32
        %parallel_loop3A_431 = arith.cmpi eq, %parallel_loop3A_429, %parallel_loop3A_430 : i32
        %parallel_loop3A_432 = arith.constant 1 : i32
        %parallel_loop3A_433 = arith.select %parallel_loop3A_431, %parallel_loop3A_432, %parallel_loop3A_429 : i32
        %parallel_loop3A_434 = arith.remsi %parallel_loop3A_404, %parallel_loop3A_433 : i32
        %parallel_loop3A_435 = arith.constant 0 : i32
        %parallel_loop3A_436 = arith.cmpi ne, %parallel_loop3A_434, %parallel_loop3A_435 : i32
        %parallel_loop3A_437 = arith.constant 0 : i32
        %parallel_loop3A_438 = arith.cmpi slt, %parallel_loop3A_434, %parallel_loop3A_437 : i32
        %parallel_loop3A_439 = arith.constant 0 : i32
        %parallel_loop3A_440 = arith.cmpi slt, %parallel_loop3A_433, %parallel_loop3A_439 : i32
        %parallel_loop3A_441 = arith.xori %parallel_loop3A_438, %parallel_loop3A_440 : i1
        %parallel_loop3A_442 = arith.andi %parallel_loop3A_441, %parallel_loop3A_436 : i1
        %parallel_loop3A_443 = arith.addi %parallel_loop3A_434, %parallel_loop3A_433 : i32
        %parallel_loop3A_444 = arith.select %parallel_loop3A_442, %parallel_loop3A_443, %parallel_loop3A_434 : i32
        %parallel_loop3A_445 = arith.index_cast %parallel_loop3A_428 : i32 to index
        %parallel_loop3A_446 = arith.index_cast %parallel_loop3A_444 : i32 to index
        %parallel_loop3A_447 = tpu.vector_load %arg14[%parallel_loop3A_445, %parallel_loop3A_446] {strides = array<i32>} : memref<8x1024xf32, #tpu.memory_space<vmem>>, vector<1x16xf32>,
        %parallel_loop3A_448 = vector.shape_cast %parallel_loop3A_447 : vector<1x16xf32> to vector<16xf32>
        %parallel_loop3A_449 = arith.index_cast %parallel_loop3A_428 : i32 to index
        %parallel_loop3A_450 = arith.index_cast %parallel_loop3A_444 : i32 to index
        %parallel_loop3A_451 = tpu.vector_load %arg5[%parallel_loop3A_449, %parallel_loop3A_450] {strides = array<i32>} : memref<8x1024xf32, #tpu.memory_space<vmem>>, vector<1x16xf32>,
        %parallel_loop3A_452 = vector.shape_cast %parallel_loop3A_451 : vector<1x16xf32> to vector<16xf32>
        %parallel_loop3A_453 = arith.addf %parallel_loop3A_452, %parallel_loop3A_448 : vector<16xf32>
        %parallel_loop3A_454 = arith.index_cast %parallel_loop3A_428 : i32 to index
        %parallel_loop3A_455 = arith.index_cast %parallel_loop3A_444 : i32 to index
        %parallel_loop3A_456 = tpu.vector_load %arg9[%parallel_loop3A_454, %parallel_loop3A_455] {strides = array<i32>} : memref<8x1024xf32, #tpu.memory_space<vmem>>, vector<1x16xf32>,
        %parallel_loop3A_457 = vector.shape_cast %parallel_loop3A_456 : vector<1x16xf32> to vector<16xf32>
        %parallel_loop3A_458 = vector.shape_cast %parallel_loop3A_453 : vector<16xf32> to vector<1x16xf32>
        tpu.vector_store %arg9[%parallel_loop3A_454, %parallel_loop3A_455], %parallel_loop3A_458 {strides = array<i32>} : memref<8x1024xf32, #tpu.memory_space<vmem>>, vector<1x16xf32>,
        %parallel_loop3A_459 = arith.index_cast %parallel_loop3A_428 : i32 to index
        %parallel_loop3A_460 = arith.index_cast %parallel_loop3A_444 : i32 to index
        %parallel_loop3A_461 = tpu.vector_load %arg6[%parallel_loop3A_459, %parallel_loop3A_460] {strides = array<i32>} : memref<8x1024xf32, #tpu.memory_space<vmem>>, vector<1x16xf32>,
        %parallel_loop3A_462 = vector.shape_cast %parallel_loop3A_461 : vector<1x16xf32> to vector<16xf32>
        %parallel_loop3A_463 = arith.addf %parallel_loop3A_462, %parallel_loop3A_448 : vector<16xf32>
        %parallel_loop3A_464 = arith.index_cast %parallel_loop3A_428 : i32 to index
        %parallel_loop3A_465 = arith.index_cast %parallel_loop3A_444 : i32 to index
        %parallel_loop3A_466 = tpu.vector_load %arg10[%parallel_loop3A_464, %parallel_loop3A_465] {strides = array<i32>} : memref<8x1024xf32, #tpu.memory_space<vmem>>, vector<1x16xf32>,
        %parallel_loop3A_467 = vector.shape_cast %parallel_loop3A_466 : vector<1x16xf32> to vector<16xf32>
        %parallel_loop3A_468 = vector.shape_cast %parallel_loop3A_463 : vector<16xf32> to vector<1x16xf32>
        tpu.vector_store %arg10[%parallel_loop3A_464, %parallel_loop3A_465], %parallel_loop3A_468 {strides = array<i32>} : memref<8x1024xf32, #tpu.memory_space<vmem>>, vector<1x16xf32>,
      } {sc.loop_unroll_factor = 16 : i64, sc.parallel_access}
      %mul3A_302 = arith.constant 8 : i32
      %mul3A_303 = arith.muli %add3A_248, %mul3A_302 : i32
      %add3A_304 = arith.addi %mul3A_2, %mul3A_303 : i32
      %dma_start3A_305 = arith.constant 0 : i32
      %dma_start3A_306 = arith.constant 0 : i32
      %dma_start3A_307 = tpu.memref_slice %arg4[%dma_start3A_305, %add3A_304, %dma_start3A_306] : memref<4x4096x1024xf32, #tpu.memory_space<hbm>> -> memref<1x8x1024xf32, #tpu.memory_space<hbm>>
      %dma_start3A_308 = tpu.memref_squeeze %dma_start3A_307 : memref<1x8x1024xf32, #tpu.memory_space<hbm>> -> memref<8x1024xf32, #tpu.memory_space<hbm>>
      %dma_start3A_309 = arith.constant 0 : i32
      %dma_start3A_310 = tpu.memref_slice %arg4[%dma_start3A_305, %add3A_304, %dma_start3A_309] : memref<4x4096x1024xf32, #tpu.memory_space<hbm>> -> memref<1x8x1024xf32, #tpu.memory_space<hbm>>
      %dma_start3A_311 = tpu.memref_squeeze %dma_start3A_310 : memref<1x8x1024xf32, #tpu.memory_space<hbm>> -> memref<8x1024xf32, #tpu.memory_space<hbm>>
      tpu.enqueue_dma source(%arg9 : memref<8x1024xf32, #tpu.memory_space<vmem>>) target(%dma_start3A_311 : memref<8x1024xf32, #tpu.memory_space<hbm>>) target_semaphore(%arg19 : memref<!tpu.dma_semaphore, #tpu.memory_space<semaphore_mem>>)
      %mul3A_312 = arith.constant 8 : i32
      %mul3A_313 = arith.muli %add3A_248, %mul3A_312 : i32
      %add3A_314 = arith.addi %mul3A_2, %mul3A_313 : i32
      %dma_start3A_315 = arith.constant 1 : i32
      %dma_start3A_316 = arith.constant 0 : i32
      %dma_start3A_317 = tpu.memref_slice %arg4[%dma_start3A_315, %add3A_314, %dma_start3A_316] : memref<4x4096x1024xf32, #tpu.memory_space<hbm>> -> memref<1x8x1024xf32, #tpu.memory_space<hbm>>
      %dma_start3A_318 = tpu.memref_squeeze %dma_start3A_317 : memref<1x8x1024xf32, #tpu.memory_space<hbm>> -> memref<8x1024xf32, #tpu.memory_space<hbm>>
      %dma_start3A_319 = arith.constant 0 : i32
      %dma_start3A_320 = tpu.memref_slice %arg4[%dma_start3A_315, %add3A_314, %dma_start3A_319] : memref<4x4096x1024xf32, #tpu.memory_space<hbm>> -> memref<1x8x1024xf32, #tpu.memory_space<hbm>>
      %dma_start3A_321 = tpu.memref_squeeze %dma_start3A_320 : memref<1x8x1024xf32, #tpu.memory_space<hbm>> -> memref<8x1024xf32, #tpu.memory_space<hbm>>
      tpu.enqueue_dma source(%arg10 : memref<8x1024xf32, #tpu.memory_space<vmem>>) target(%dma_start3A_321 : memref<8x1024xf32, #tpu.memory_space<hbm>>) target_semaphore(%arg20 : memref<!tpu.dma_semaphore, #tpu.memory_space<semaphore_mem>>)
      %lt3A_322 = arith.constant 15 : i32
      %lt3A_323 = arith.cmpi slt, %add3A_248, %lt3A_322 : i32
      %convert_element_type3A_324 = arith.extui %lt3A_323 : i1 to i32
      %cond3A_325 = arith.constant 0 : i32
      %cond3A_326 = arith.cmpi ne, %convert_element_type3A_324, %cond3A_325 : i32
      scf.if %cond3A_326 {
        %add3A_404 = arith.constant 1 : i32
        %add3A_405 = arith.addi %add3A_248, %add3A_404 : i32
        %mul3A_406 = arith.constant 8 : i32
        %mul3A_407 = arith.muli %add3A_405, %mul3A_406 : i32
        %add3A_408 = arith.addi %mul3A_2, %mul3A_407 : i32
        %dma_start3A_409 = arith.constant 0 : i32
        %dma_start3A_410 = arith.constant 0 : i32
        %dma_start3A_411 = tpu.memref_slice %arg2[%dma_start3A_409, %add3A_408, %dma_start3A_410] : memref<4x4096x1024xf32, #tpu.memory_space<hbm>> -> memref<1x8x1024xf32, #tpu.memory_space<hbm>>
        %dma_start3A_412 = tpu.memref_squeeze %dma_start3A_411 : memref<1x8x1024xf32, #tpu.memory_space<hbm>> -> memref<8x1024xf32, #tpu.memory_space<hbm>>
        %dma_start3A_413 = arith.constant 0 : i32
        %dma_start3A_414 = tpu.memref_slice %arg2[%dma_start3A_409, %add3A_408, %dma_start3A_413] : memref<4x4096x1024xf32, #tpu.memory_space<hbm>> -> memref<1x8x1024xf32, #tpu.memory_space<hbm>>
        %dma_start3A_415 = tpu.memref_squeeze %dma_start3A_414 : memref<1x8x1024xf32, #tpu.memory_space<hbm>> -> memref<8x1024xf32, #tpu.memory_space<hbm>>
        tpu.enqueue_dma source(%dma_start3A_415 : memref<8x1024xf32, #tpu.memory_space<hbm>>) target(%arg5 : memref<8x1024xf32, #tpu.memory_space<vmem>>) target_semaphore(%arg15 : memref<!tpu.dma_semaphore, #tpu.memory_space<semaphore_mem>>)
        %add3A_416 = arith.constant 1 : i32
        %add3A_417 = arith.addi %add3A_248, %add3A_416 : i32
        %mul3A_418 = arith.constant 8 : i32
        %mul3A_419 = arith.muli %add3A_417, %mul3A_418 : i32
        %add3A_420 = arith.addi %mul3A_2, %mul3A_419 : i32
        %dma_start3A_421 = arith.constant 1 : i32
        %dma_start3A_422 = arith.constant 0 : i32
        %dma_start3A_423 = tpu.memref_slice %arg2[%dma_start3A_421, %add3A_420, %dma_start3A_422] : memref<4x4096x1024xf32, #tpu.memory_space<hbm>> -> memref<1x8x1024xf32, #tpu.memory_space<hbm>>
        %dma_start3A_424 = tpu.memref_squeeze %dma_start3A_423 : memref<1x8x1024xf32, #tpu.memory_space<hbm>> -> memref<8x1024xf32, #tpu.memory_space<hbm>>
        %dma_start3A_425 = arith.constant 0 : i32
        %dma_start3A_426 = tpu.memref_slice %arg2[%dma_start3A_421, %add3A_420, %dma_start3A_425] : memref<4x4096x1024xf32, #tpu.memory_space<hbm>> -> memref<1x8x1024xf32, #tpu.memory_space<hbm>>
        %dma_start3A_427 = tpu.memref_squeeze %dma_start3A_426 : memref<1x8x1024xf32, #tpu.memory_space<hbm>> -> memref<8x1024xf32, #tpu.memory_space<hbm>>
        tpu.enqueue_dma source(%dma_start3A_427 : memref<8x1024xf32, #tpu.memory_space<hbm>>) target(%arg6 : memref<8x1024xf32, #tpu.memory_space<vmem>>) target_semaphore(%arg16 : memref<!tpu.dma_semaphore, #tpu.memory_space<semaphore_mem>>)
      } else {
      }
      %mul3A_327 = arith.constant 8 : i32
      %mul3A_328 = arith.muli %add3A_248, %mul3A_327 : i32
      %add3A_329 = arith.addi %mul3A_2, %mul3A_328 : i32
      %dma_wait3A_330 = arith.constant 2 : i32
      %dma_wait3A_331 = arith.constant 0 : i32
      %dma_wait3A_332 = tpu.memref_slice %arg2[%dma_wait3A_330, %add3A_329, %dma_wait3A_331] : memref<4x4096x1024xf32, #tpu.memory_space<hbm>> -> memref<1x8x1024xf32, #tpu.memory_space<hbm>>
      %dma_wait3A_333 = tpu.memref_squeeze %dma_wait3A_332 : memref<1x8x1024xf32, #tpu.memory_space<hbm>> -> memref<8x1024xf32, #tpu.memory_space<hbm>>
      %dma_wait3A_334 = arith.constant 0 : i32
      %dma_wait3A_335 = tpu.memref_slice %arg2[%dma_wait3A_330, %add3A_329, %dma_wait3A_334] : memref<4x4096x1024xf32, #tpu.memory_space<hbm>> -> memref<1x8x1024xf32, #tpu.memory_space<hbm>>
      %dma_wait3A_336 = tpu.memref_squeeze %dma_wait3A_335 : memref<1x8x1024xf32, #tpu.memory_space<hbm>> -> memref<8x1024xf32, #tpu.memory_space<hbm>>
      tpu.wait_dma2 semaphore(%arg17 : memref<!tpu.dma_semaphore, #tpu.memory_space<semaphore_mem>>) src(%dma_wait3A_336 : memref<8x1024xf32, #tpu.memory_space<hbm>>) dst(%arg7 : memref<8x1024xf32, #tpu.memory_space<vmem>>)
      %mul3A_337 = arith.constant 8 : i32
      %mul3A_338 = arith.muli %add3A_248, %mul3A_337 : i32
      %add3A_339 = arith.addi %mul3A_2, %mul3A_338 : i32
      %dma_wait3A_340 = arith.constant 3 : i32
      %dma_wait3A_341 = arith.constant 0 : i32
      %dma_wait3A_342 = tpu.memref_slice %arg2[%dma_wait3A_340, %add3A_339, %dma_wait3A_341] : memref<4x4096x1024xf32, #tpu.memory_space<hbm>> -> memref<1x8x1024xf32, #tpu.memory_space<hbm>>
      %dma_wait3A_343 = tpu.memref_squeeze %dma_wait3A_342 : memref<1x8x1024xf32, #tpu.memory_space<hbm>> -> memref<8x1024xf32, #tpu.memory_space<hbm>>
      %dma_wait3A_344 = arith.constant 0 : i32
      %dma_wait3A_345 = tpu.memref_slice %arg2[%dma_wait3A_340, %add3A_339, %dma_wait3A_344] : memref<4x4096x1024xf32, #tpu.memory_space<hbm>> -> memref<1x8x1024xf32, #tpu.memory_space<hbm>>
      %dma_wait3A_346 = tpu.memref_squeeze %dma_wait3A_345 : memref<1x8x1024xf32, #tpu.memory_space<hbm>> -> memref<8x1024xf32, #tpu.memory_space<hbm>>
      tpu.wait_dma2 semaphore(%arg18 : memref<!tpu.dma_semaphore, #tpu.memory_space<semaphore_mem>>) src(%dma_wait3A_346 : memref<8x1024xf32, #tpu.memory_space<hbm>>) dst(%arg8 : memref<8x1024xf32, #tpu.memory_space<vmem>>)
      %sub3A_347 = arith.constant 1 : i32
      %sub3A_348 = arith.subi %add3A_248, %sub3A_347 : i32
      %mul3A_349 = arith.constant 8 : i32
      %mul3A_350 = arith.muli %sub3A_348, %mul3A_349 : i32
      %add3A_351 = arith.addi %mul3A_2, %mul3A_350 : i32
      %dma_wait3A_352 = arith.constant 2 : i32
      %dma_wait3A_353 = arith.constant 0 : i32
      %dma_wait3A_354 = tpu.memref_slice %arg4[%dma_wait3A_352, %add3A_351, %dma_wait3A_353] : memref<4x4096x1024xf32, #tpu.memory_space<hbm>> -> memref<1x8x1024xf32, #tpu.memory_space<hbm>>
      %dma_wait3A_355 = tpu.memref_squeeze %dma_wait3A_354 : memref<1x8x1024xf32, #tpu.memory_space<hbm>> -> memref<8x1024xf32, #tpu.memory_space<hbm>>
      %dma_wait3A_356 = arith.constant 0 : i32
      %dma_wait3A_357 = tpu.memref_slice %arg4[%dma_wait3A_352, %add3A_351, %dma_wait3A_356] : memref<4x4096x1024xf32, #tpu.memory_space<hbm>> -> memref<1x8x1024xf32, #tpu.memory_space<hbm>>
      %dma_wait3A_358 = tpu.memref_squeeze %dma_wait3A_357 : memref<1x8x1024xf32, #tpu.memory_space<hbm>> -> memref<8x1024xf32, #tpu.memory_space<hbm>>
      tpu.wait_dma2 semaphore(%arg21 : memref<!tpu.dma_semaphore, #tpu.memory_space<semaphore_mem>>) src(%arg11 : memref<8x1024xf32, #tpu.memory_space<vmem>>) dst(%dma_wait3A_358 : memref<8x1024xf32, #tpu.memory_space<hbm>>)
      %sub3A_359 = arith.constant 1 : i32
      %sub3A_360 = arith.subi %add3A_248, %sub3A_359 : i32
      %mul3A_361 = arith.constant 8 : i32
      %mul3A_362 = arith.muli %sub3A_360, %mul3A_361 : i32
      %add3A_363 = arith.addi %mul3A_2, %mul3A_362 : i32
      %dma_wait3A_364 = arith.constant 3 : i32
      %dma_wait3A_365 = arith.constant 0 : i32
      %dma_wait3A_366 = tpu.memref_slice %arg4[%dma_wait3A_364, %add3A_363, %dma_wait3A_365] : memref<4x4096x1024xf32, #tpu.memory_space<hbm>> -> memref<1x8x1024xf32, #tpu.memory_space<hbm>>
      %dma_wait3A_367 = tpu.memref_squeeze %dma_wait3A_366 : memref<1x8x1024xf32, #tpu.memory_space<hbm>> -> memref<8x1024xf32, #tpu.memory_space<hbm>>
      %dma_wait3A_368 = arith.constant 0 : i32
      %dma_wait3A_369 = tpu.memref_slice %arg4[%dma_wait3A_364, %add3A_363, %dma_wait3A_368] : memref<4x4096x1024xf32, #tpu.memory_space<hbm>> -> memref<1x8x1024xf32, #tpu.memory_space<hbm>>
      %dma_wait3A_370 = tpu.memref_squeeze %dma_wait3A_369 : memref<1x8x1024xf32, #tpu.memory_space<hbm>> -> memref<8x1024xf32, #tpu.memory_space<hbm>>
      tpu.wait_dma2 semaphore(%arg22 : memref<!tpu.dma_semaphore, #tpu.memory_space<semaphore_mem>>) src(%arg12 : memref<8x1024xf32, #tpu.memory_space<vmem>>) dst(%dma_wait3A_370 : memref<8x1024xf32, #tpu.memory_space<hbm>>)
      %parallel_loop3A_371 = arith.constant 0 : i32
      %parallel_loop3A_372 = arith.constant 8192 : i32
      %parallel_loop3A_373 = arith.constant 16 : i32
      scf.for %parallel_loop3A_404 = %parallel_loop3A_371 to %parallel_loop3A_372 step %parallel_loop3A_373  : i32 {
        %parallel_loop3A_405 = arith.constant 1024 : i32
        %parallel_loop3A_406 = arith.divsi %parallel_loop3A_404, %parallel_loop3A_405 : i32
        %parallel_loop3A_407 = arith.constant 0 : i32
        %parallel_loop3A_408 = arith.cmpi sgt, %parallel_loop3A_404, %parallel_loop3A_407 : i32
        %parallel_loop3A_409 = arith.extui %parallel_loop3A_408 : i1 to i32
        %parallel_loop3A_410 = arith.constant 0 : i32
        %parallel_loop3A_411 = arith.cmpi slt, %parallel_loop3A_404, %parallel_loop3A_410 : i32
        %parallel_loop3A_412 = arith.extui %parallel_loop3A_411 : i1 to i32
        %parallel_loop3A_413 = arith.subi %parallel_loop3A_409, %parallel_loop3A_412 : i32
        %parallel_loop3A_414 = arith.constant 0 : i32
        %parallel_loop3A_415 = arith.cmpi sgt, %parallel_loop3A_405, %parallel_loop3A_414 : i32
        %parallel_loop3A_416 = arith.extui %parallel_loop3A_415 : i1 to i32
        %parallel_loop3A_417 = arith.constant 0 : i32
        %parallel_loop3A_418 = arith.cmpi slt, %parallel_loop3A_405, %parallel_loop3A_417 : i32
        %parallel_loop3A_419 = arith.extui %parallel_loop3A_418 : i1 to i32
        %parallel_loop3A_420 = arith.subi %parallel_loop3A_416, %parallel_loop3A_419 : i32
        %parallel_loop3A_421 = arith.cmpi ne, %parallel_loop3A_413, %parallel_loop3A_420 : i32
        %parallel_loop3A_422 = arith.remsi %parallel_loop3A_404, %parallel_loop3A_405 : i32
        %parallel_loop3A_423 = arith.constant 0 : i32
        %parallel_loop3A_424 = arith.cmpi ne, %parallel_loop3A_422, %parallel_loop3A_423 : i32
        %parallel_loop3A_425 = arith.andi %parallel_loop3A_421, %parallel_loop3A_424 : i1
        %parallel_loop3A_426 = arith.constant 1 : i32
        %parallel_loop3A_427 = arith.subi %parallel_loop3A_406, %parallel_loop3A_426 : i32
        %parallel_loop3A_428 = arith.select %parallel_loop3A_425, %parallel_loop3A_427, %parallel_loop3A_406 : i32
        %parallel_loop3A_429 = arith.constant 1024 : i32
        %parallel_loop3A_430 = arith.constant 0 : i32
        %parallel_loop3A_431 = arith.cmpi eq, %parallel_loop3A_429, %parallel_loop3A_430 : i32
        %parallel_loop3A_432 = arith.constant 1 : i32
        %parallel_loop3A_433 = arith.select %parallel_loop3A_431, %parallel_loop3A_432, %parallel_loop3A_429 : i32
        %parallel_loop3A_434 = arith.remsi %parallel_loop3A_404, %parallel_loop3A_433 : i32
        %parallel_loop3A_435 = arith.constant 0 : i32
        %parallel_loop3A_436 = arith.cmpi ne, %parallel_loop3A_434, %parallel_loop3A_435 : i32
        %parallel_loop3A_437 = arith.constant 0 : i32
        %parallel_loop3A_438 = arith.cmpi slt, %parallel_loop3A_434, %parallel_loop3A_437 : i32
        %parallel_loop3A_439 = arith.constant 0 : i32
        %parallel_loop3A_440 = arith.cmpi slt, %parallel_loop3A_433, %parallel_loop3A_439 : i32
        %parallel_loop3A_441 = arith.xori %parallel_loop3A_438, %parallel_loop3A_440 : i1
        %parallel_loop3A_442 = arith.andi %parallel_loop3A_441, %parallel_loop3A_436 : i1
        %parallel_loop3A_443 = arith.addi %parallel_loop3A_434, %parallel_loop3A_433 : i32
        %parallel_loop3A_444 = arith.select %parallel_loop3A_442, %parallel_loop3A_443, %parallel_loop3A_434 : i32
        %parallel_loop3A_445 = arith.index_cast %parallel_loop3A_428 : i32 to index
        %parallel_loop3A_446 = arith.index_cast %parallel_loop3A_444 : i32 to index
        %parallel_loop3A_447 = tpu.vector_load %arg14[%parallel_loop3A_445, %parallel_loop3A_446] {strides = array<i32>} : memref<8x1024xf32, #tpu.memory_space<vmem>>, vector<1x16xf32>,
        %parallel_loop3A_448 = vector.shape_cast %parallel_loop3A_447 : vector<1x16xf32> to vector<16xf32>
        %parallel_loop3A_449 = arith.index_cast %parallel_loop3A_428 : i32 to index
        %parallel_loop3A_450 = arith.index_cast %parallel_loop3A_444 : i32 to index
        %parallel_loop3A_451 = tpu.vector_load %arg7[%parallel_loop3A_449, %parallel_loop3A_450] {strides = array<i32>} : memref<8x1024xf32, #tpu.memory_space<vmem>>, vector<1x16xf32>,
        %parallel_loop3A_452 = vector.shape_cast %parallel_loop3A_451 : vector<1x16xf32> to vector<16xf32>
        %parallel_loop3A_453 = arith.addf %parallel_loop3A_452, %parallel_loop3A_448 : vector<16xf32>
        %parallel_loop3A_454 = arith.index_cast %parallel_loop3A_428 : i32 to index
        %parallel_loop3A_455 = arith.index_cast %parallel_loop3A_444 : i32 to index
        %parallel_loop3A_456 = tpu.vector_load %arg11[%parallel_loop3A_454, %parallel_loop3A_455] {strides = array<i32>} : memref<8x1024xf32, #tpu.memory_space<vmem>>, vector<1x16xf32>,
        %parallel_loop3A_457 = vector.shape_cast %parallel_loop3A_456 : vector<1x16xf32> to vector<16xf32>
        %parallel_loop3A_458 = vector.shape_cast %parallel_loop3A_453 : vector<16xf32> to vector<1x16xf32>
        tpu.vector_store %arg11[%parallel_loop3A_454, %parallel_loop3A_455], %parallel_loop3A_458 {strides = array<i32>} : memref<8x1024xf32, #tpu.memory_space<vmem>>, vector<1x16xf32>,
        %parallel_loop3A_459 = arith.index_cast %parallel_loop3A_428 : i32 to index
        %parallel_loop3A_460 = arith.index_cast %parallel_loop3A_444 : i32 to index
        %parallel_loop3A_461 = tpu.vector_load %arg8[%parallel_loop3A_459, %parallel_loop3A_460] {strides = array<i32>} : memref<8x1024xf32, #tpu.memory_space<vmem>>, vector<1x16xf32>,
        %parallel_loop3A_462 = vector.shape_cast %parallel_loop3A_461 : vector<1x16xf32> to vector<16xf32>
        %parallel_loop3A_463 = arith.addf %parallel_loop3A_462, %parallel_loop3A_448 : vector<16xf32>
        %parallel_loop3A_464 = arith.index_cast %parallel_loop3A_428 : i32 to index
        %parallel_loop3A_465 = arith.index_cast %parallel_loop3A_444 : i32 to index
        %parallel_loop3A_466 = tpu.vector_load %arg12[%parallel_loop3A_464, %parallel_loop3A_465] {strides = array<i32>} : memref<8x1024xf32, #tpu.memory_space<vmem>>, vector<1x16xf32>,
        %parallel_loop3A_467 = vector.shape_cast %parallel_loop3A_466 : vector<1x16xf32> to vector<16xf32>
        %parallel_loop3A_468 = vector.shape_cast %parallel_loop3A_463 : vector<16xf32> to vector<1x16xf32>
        tpu.vector_store %arg12[%parallel_loop3A_464, %parallel_loop3A_465], %parallel_loop3A_468 {strides = array<i32>} : memref<8x1024xf32, #tpu.memory_space<vmem>>, vector<1x16xf32>,
      } {sc.loop_unroll_factor = 16 : i64, sc.parallel_access}
      %mul3A_374 = arith.constant 8 : i32
      %mul3A_375 = arith.muli %add3A_248, %mul3A_374 : i32
      %add3A_376 = arith.addi %mul3A_2, %mul3A_375 : i32
      %dma_start3A_377 = arith.constant 2 : i32
      %dma_start3A_378 = arith.constant 0 : i32
      %dma_start3A_379 = tpu.memref_slice %arg4[%dma_start3A_377, %add3A_376, %dma_start3A_378] : memref<4x4096x1024xf32, #tpu.memory_space<hbm>> -> memref<1x8x1024xf32, #tpu.memory_space<hbm>>
      %dma_start3A_380 = tpu.memref_squeeze %dma_start3A_379 : memref<1x8x1024xf32, #tpu.memory_space<hbm>> -> memref<8x1024xf32, #tpu.memory_space<hbm>>
      %dma_start3A_381 = arith.constant 0 : i32
      %dma_start3A_382 = tpu.memref_slice %arg4[%dma_start3A_377, %add3A_376, %dma_start3A_381] : memref<4x4096x1024xf32, #tpu.memory_space<hbm>> -> memref<1x8x1024xf32, #tpu.memory_space<hbm>>
      %dma_start3A_383 = tpu.memref_squeeze %dma_start3A_382 : memref<1x8x1024xf32, #tpu.memory_space<hbm>> -> memref<8x1024xf32, #tpu.memory_space<hbm>>
      tpu.enqueue_dma source(%arg11 : memref<8x1024xf32, #tpu.memory_space<vmem>>) target(%dma_start3A_383 : memref<8x1024xf32, #tpu.memory_space<hbm>>) target_semaphore(%arg21 : memref<!tpu.dma_semaphore, #tpu.memory_space<semaphore_mem>>)
      %mul3A_384 = arith.constant 8 : i32
      %mul3A_385 = arith.muli %add3A_248, %mul3A_384 : i32
      %add3A_386 = arith.addi %mul3A_2, %mul3A_385 : i32
      %dma_start3A_387 = arith.constant 3 : i32
      %dma_start3A_388 = arith.constant 0 : i32
      %dma_start3A_389 = tpu.memref_slice %arg4[%dma_start3A_387, %add3A_386, %dma_start3A_388] : memref<4x4096x1024xf32, #tpu.memory_space<hbm>> -> memref<1x8x1024xf32, #tpu.memory_space<hbm>>
      %dma_start3A_390 = tpu.memref_squeeze %dma_start3A_389 : memref<1x8x1024xf32, #tpu.memory_space<hbm>> -> memref<8x1024xf32, #tpu.memory_space<hbm>>
      %dma_start3A_391 = arith.constant 0 : i32
      %dma_start3A_392 = tpu.memref_slice %arg4[%dma_start3A_387, %add3A_386, %dma_start3A_391] : memref<4x4096x1024xf32, #tpu.memory_space<hbm>> -> memref<1x8x1024xf32, #tpu.memory_space<hbm>>
      %dma_start3A_393 = tpu.memref_squeeze %dma_start3A_392 : memref<1x8x1024xf32, #tpu.memory_space<hbm>> -> memref<8x1024xf32, #tpu.memory_space<hbm>>
      tpu.enqueue_dma source(%arg12 : memref<8x1024xf32, #tpu.memory_space<vmem>>) target(%dma_start3A_393 : memref<8x1024xf32, #tpu.memory_space<hbm>>) target_semaphore(%arg22 : memref<!tpu.dma_semaphore, #tpu.memory_space<semaphore_mem>>)
      %lt3A_394 = arith.constant 15 : i32
      %lt3A_395 = arith.cmpi slt, %add3A_248, %lt3A_394 : i32
      %convert_element_type3A_396 = arith.extui %lt3A_395 : i1 to i32
      %cond3A_397 = arith.constant 0 : i32
      %cond3A_398 = arith.cmpi ne, %convert_element_type3A_396, %cond3A_397 : i32
      scf.if %cond3A_398 {
        %add3A_404 = arith.constant 1 : i32
        %add3A_405 = arith.addi %add3A_248, %add3A_404 : i32
        %mul3A_406 = arith.constant 8 : i32
        %mul3A_407 = arith.muli %add3A_405, %mul3A_406 : i32
        %add3A_408 = arith.addi %mul3A_2, %mul3A_407 : i32
        %dma_start3A_409 = arith.constant 2 : i32
        %dma_start3A_410 = arith.constant 0 : i32
        %dma_start3A_411 = tpu.memref_slice %arg2[%dma_start3A_409, %add3A_408, %dma_start3A_410] : memref<4x4096x1024xf32, #tpu.memory_space<hbm>> -> memref<1x8x1024xf32, #tpu.memory_space<hbm>>
        %dma_start3A_412 = tpu.memref_squeeze %dma_start3A_411 : memref<1x8x1024xf32, #tpu.memory_space<hbm>> -> memref<8x1024xf32, #tpu.memory_space<hbm>>
        %dma_start3A_413 = arith.constant 0 : i32
        %dma_start3A_414 = tpu.memref_slice %arg2[%dma_start3A_409, %add3A_408, %dma_start3A_413] : memref<4x4096x1024xf32, #tpu.memory_space<hbm>> -> memref<1x8x1024xf32, #tpu.memory_space<hbm>>
        %dma_start3A_415 = tpu.memref_squeeze %dma_start3A_414 : memref<1x8x1024xf32, #tpu.memory_space<hbm>> -> memref<8x1024xf32, #tpu.memory_space<hbm>>
        tpu.enqueue_dma source(%dma_start3A_415 : memref<8x1024xf32, #tpu.memory_space<hbm>>) target(%arg7 : memref<8x1024xf32, #tpu.memory_space<vmem>>) target_semaphore(%arg17 : memref<!tpu.dma_semaphore, #tpu.memory_space<semaphore_mem>>)
        %add3A_416 = arith.constant 1 : i32
        %add3A_417 = arith.addi %add3A_248, %add3A_416 : i32
        %mul3A_418 = arith.constant 8 : i32
        %mul3A_419 = arith.muli %add3A_417, %mul3A_418 : i32
        %add3A_420 = arith.addi %mul3A_2, %mul3A_419 : i32
        %dma_start3A_421 = arith.constant 3 : i32
        %dma_start3A_422 = arith.constant 0 : i32
        %dma_start3A_423 = tpu.memref_slice %arg2[%dma_start3A_421, %add3A_420, %dma_start3A_422] : memref<4x4096x1024xf32, #tpu.memory_space<hbm>> -> memref<1x8x1024xf32, #tpu.memory_space<hbm>>
        %dma_start3A_424 = tpu.memref_squeeze %dma_start3A_423 : memref<1x8x1024xf32, #tpu.memory_space<hbm>> -> memref<8x1024xf32, #tpu.memory_space<hbm>>
        %dma_start3A_425 = arith.constant 0 : i32
        %dma_start3A_426 = tpu.memref_slice %arg2[%dma_start3A_421, %add3A_420, %dma_start3A_425] : memref<4x4096x1024xf32, #tpu.memory_space<hbm>> -> memref<1x8x1024xf32, #tpu.memory_space<hbm>>
        %dma_start3A_427 = tpu.memref_squeeze %dma_start3A_426 : memref<1x8x1024xf32, #tpu.memory_space<hbm>> -> memref<8x1024xf32, #tpu.memory_space<hbm>>
        tpu.enqueue_dma source(%dma_start3A_427 : memref<8x1024xf32, #tpu.memory_space<hbm>>) target(%arg8 : memref<8x1024xf32, #tpu.memory_space<vmem>>) target_semaphore(%arg18 : memref<!tpu.dma_semaphore, #tpu.memory_space<semaphore_mem>>)
      } else {
      }
      %lt3A_399 = arith.constant 14 : i32
      %lt3A_400 = arith.cmpi slt, %add3A_248, %lt3A_399 : i32
      %convert_element_type3A_401 = arith.extui %lt3A_400 : i1 to i32
      %cond3A_402 = arith.constant 0 : i32
      %cond3A_403 = arith.cmpi ne, %convert_element_type3A_401, %cond3A_402 : i32
      scf.if %cond3A_403 {
        %add3A_404 = arith.constant 2 : i32
        %add3A_405 = arith.addi %add3A_248, %add3A_404 : i32
        %mul3A_406 = arith.constant 8 : i32
        %mul3A_407 = arith.muli %add3A_405, %mul3A_406 : i32
        %add3A_408 = arith.addi %mul3A_2, %mul3A_407 : i32
        %dma_start3A_409 = arith.constant 0 : i32
        %dma_start3A_410 = tpu.memref_slice %arg3[%add3A_408, %dma_start3A_409] : memref<4096x1024xf32, #tpu.memory_space<hbm>> -> memref<8x1024xf32, #tpu.memory_space<hbm>>
        %dma_start3A_411 = arith.constant 0 : i32
        %dma_start3A_412 = tpu.memref_slice %arg3[%add3A_408, %dma_start3A_411] : memref<4096x1024xf32, #tpu.memory_space<hbm>> -> memref<8x1024xf32, #tpu.memory_space<hbm>>
        tpu.enqueue_dma source(%dma_start3A_412 : memref<8x1024xf32, #tpu.memory_space<hbm>>) target(%arg14 : memref<8x1024xf32, #tpu.memory_space<vmem>>) target_semaphore(%arg24 : memref<!tpu.dma_semaphore, #tpu.memory_space<semaphore_mem>>)
      } else {
      }
    }
    %scan3A_53 = arith.constant 8 : i32
    %add3A_54 = arith.constant 120 : i32
    %add3A_55 = arith.addi %mul3A_2, %add3A_54 : i32
    %dma_wait3A = arith.constant 0 : i32
    %dma_wait3A_56 = arith.constant 0 : i32
    %dma_wait3A_57 = tpu.memref_slice %arg4[%dma_wait3A, %add3A_55, %dma_wait3A_56] : memref<4x4096x1024xf32, #tpu.memory_space<hbm>> -> memref<1x8x1024xf32, #tpu.memory_space<hbm>>
    %dma_wait3A_58 = tpu.memref_squeeze %dma_wait3A_57 : memref<1x8x1024xf32, #tpu.memory_space<hbm>> -> memref<8x1024xf32, #tpu.memory_space<hbm>>
    %dma_wait3A_59 = arith.constant 0 : i32
    %dma_wait3A_60 = tpu.memref_slice %arg4[%dma_wait3A, %add3A_55, %dma_wait3A_59] : memref<4x4096x1024xf32, #tpu.memory_space<hbm>> -> memref<1x8x1024xf32, #tpu.memory_space<hbm>>
    %dma_wait3A_61 = tpu.memref_squeeze %dma_wait3A_60 : memref<1x8x1024xf32, #tpu.memory_space<hbm>> -> memref<8x1024xf32, #tpu.memory_space<hbm>>
    tpu.wait_dma2 semaphore(%arg19 : memref<!tpu.dma_semaphore, #tpu.memory_space<semaphore_mem>>) src(%arg9 : memref<8x1024xf32, #tpu.memory_space<vmem>>) dst(%dma_wait3A_61 : memref<8x1024xf32, #tpu.memory_space<hbm>>)
    %add3A_62 = arith.constant 120 : i32
    %add3A_63 = arith.addi %mul3A_2, %add3A_62 : i32
    %dma_wait3A_64 = arith.constant 1 : i32
    %dma_wait3A_65 = arith.constant 0 : i32
    %dma_wait3A_66 = tpu.memref_slice %arg4[%dma_wait3A_64, %add3A_63, %dma_wait3A_65] : memref<4x4096x1024xf32, #tpu.memory_space<hbm>> -> memref<1x8x1024xf32, #tpu.memory_space<hbm>>
    %dma_wait3A_67 = tpu.memref_squeeze %dma_wait3A_66 : memref<1x8x1024xf32, #tpu.memory_space<hbm>> -> memref<8x1024xf32, #tpu.memory_space<hbm>>
    %dma_wait3A_68 = arith.constant 0 : i32
    %dma_wait3A_69 = tpu.memref_slice %arg4[%dma_wait3A_64, %add3A_63, %dma_wait3A_68] : memref<4x4096x1024xf32, #tpu.memory_space<hbm>> -> memref<1x8x1024xf32, #tpu.memory_space<hbm>>
    %dma_wait3A_70 = tpu.memref_squeeze %dma_wait3A_69 : memref<1x8x1024xf32, #tpu.memory_space<hbm>> -> memref<8x1024xf32, #tpu.memory_space<hbm>>
    tpu.wait_dma2 semaphore(%arg20 : memref<!tpu.dma_semaphore, #tpu.memory_space<semaphore_mem>>) src(%arg10 : memref<8x1024xf32, #tpu.memory_space<vmem>>) dst(%dma_wait3A_70 : memref<8x1024xf32, #tpu.memory_space<hbm>>)
    %add3A_71 = arith.constant 120 : i32
    %add3A_72 = arith.addi %mul3A_2, %add3A_71 : i32
    %dma_wait3A_73 = arith.constant 2 : i32
    %dma_wait3A_74 = arith.constant 0 : i32
    %dma_wait3A_75 = tpu.memref_slice %arg4[%dma_wait3A_73, %add3A_72, %dma_wait3A_74] : memref<4x4096x1024xf32, #tpu.memory_space<hbm>> -> memref<1x8x1024xf32, #tpu.memory_space<hbm>>
    %dma_wait3A_76 = tpu.memref_squeeze %dma_wait3A_75 : memref<1x8x1024xf32, #tpu.memory_space<hbm>> -> memref<8x1024xf32, #tpu.memory_space<hbm>>
    %dma_wait3A_77 = arith.constant 0 : i32
    %dma_wait3A_78 = tpu.memref_slice %arg4[%dma_wait3A_73, %add3A_72, %dma_wait3A_77] : memref<4x4096x1024xf32, #tpu.memory_space<hbm>> -> memref<1x8x1024xf32, #tpu.memory_space<hbm>>
    %dma_wait3A_79 = tpu.memref_squeeze %dma_wait3A_78 : memref<1x8x1024xf32, #tpu.memory_space<hbm>> -> memref<8x1024xf32, #tpu.memory_space<hbm>>
    tpu.wait_dma2 semaphore(%arg21 : memref<!tpu.dma_semaphore, #tpu.memory_space<semaphore_mem>>) src(%arg11 : memref<8x1024xf32, #tpu.memory_space<vmem>>) dst(%dma_wait3A_79 : memref<8x1024xf32, #tpu.memory_space<hbm>>)
    %add3A_80 = arith.constant 120 : i32
    %add3A_81 = arith.addi %mul3A_2, %add3A_80 : i32
    %dma_wait3A_82 = arith.constant 3 : i32
    %dma_wait3A_83 = arith.constant 0 : i32
    %dma_wait3A_84 = tpu.memref_slice %arg4[%dma_wait3A_82, %add3A_81, %dma_wait3A_83] : memref<4x4096x1024xf32, #tpu.memory_space<hbm>> -> memref<1x8x1024xf32, #tpu.memory_space<hbm>>
    %dma_wait3A_85 = tpu.memref_squeeze %dma_wait3A_84 : memref<1x8x1024xf32, #tpu.memory_space<hbm>> -> memref<8x1024xf32, #tpu.memory_space<hbm>>
    %dma_wait3A_86 = arith.constant 0 : i32
    %dma_wait3A_87 = tpu.memref_slice %arg4[%dma_wait3A_82, %add3A_81, %dma_wait3A_86] : memref<4x4096x1024xf32, #tpu.memory_space<hbm>> -> memref<1x8x1024xf32, #tpu.memory_space<hbm>>
    %dma_wait3A_88 = tpu.memref_squeeze %dma_wait3A_87 : memref<1x8x1024xf32, #tpu.memory_space<hbm>> -> memref<8x1024xf32, #tpu.memory_space<hbm>>
    tpu.wait_dma2 semaphore(%arg22 : memref<!tpu.dma_semaphore, #tpu.memory_space<semaphore_mem>>) src(%arg12 : memref<8x1024xf32, #tpu.memory_space<vmem>>) dst(%dma_wait3A_88 : memref<8x1024xf32, #tpu.memory_space<hbm>>)
    return
  }
}

</mosaic_0001>

<sc_bundles>
// kernel: _pos_emb_add.3.cloned.1.call-start
scs
__scs_entry_jumppad:
0x0: {  	(pc) =	sbr.rel $0x88, $3  }
0x1: {  	(tag) =	ssettag $0x0;
	lr =	simm.s32 $0x1  }
0x2: {  	[smem:$0x3F9F] =	sst lr;
	_ =	strace $0xD0000000  }
0x3: {  	_ = 	snop  }
0x4: {  	_ = 	snop  }
0x5: {  	_ = 	snop  }
0x6: {  	_ = 	snop  }
0x7: {  	_ = 	snop  }
__scs_overlays_trampoline_lowered:
0x8: {  	[smem:$0x3FAE] =	sst s0  }
0x9: {  	[smem:$0x3FAF] =	sst s1  }
0xa: {  	[smem:$0x3FB0] =	sst s2  }
0xb: {  	[smem:$0x3FB1] =	sst s3  }
0xc: {  	[smem:$0x3FB2] =	sst s4  }
0xd: {  	[smem:$0x3FB3] =	sst s5  }
0xe: {  	[smem:$0x3FB4] =	sst s6  }
0xf: {  	[smem:$0x3FB5] =	sst s7  }
0x10: {  	[smem:$0x3FB6] =	sst s8  }
0x11: {  	[smem:$0x3FB7] =	sst s9;
	s0 =	simm.s32 @!p0 $0x0  }
0x12: {  	s1 =	sld [smem:$0x3F9D];
	s0 =	simm.s32 @p0 $0x1  }
0x13: {  	[smem:$0x3FB8] =	sst s0;
	s0 =	simm.s32 @!p1 $0x0  }
0x14: {  	s2 =	sld [smem:$0x3F9C];
	s0 =	simm.s32 @p1 $0x1  }
0x15: {  	[smem:$0x3FB9] =	sst s0;
	s0 =	simm.s32 @!p2 $0x0  }
0x16: {  	s3 =	sld [smem:$0x3FDB];
	s0 =	simm.s32 @p2 $0x1  }
0x17: {  	s4 =	simm.s32 $0x1BF5;
	[smem:$0x3FBB] =	sst s0  }
0x18: {  	s0 =	sld [smem:$0x3F9E];
	_ =	swait.ge [sflag:s4], $0x0  }
0x19: {  	s7 =	sld [smem:$0x3F9F]  }
0x1a: {  	s8 =	sadd.s32 $0xFFFFE003, lr  }
0x1b: {  	s9 =	sadd.s32 $0xFFFFFEF7, lr;
	s5 =	simm.s32 $0xFFFFFFFF;
	p2 =	slt.u32 s8, $0xFFFFF086  }
0x1c: {  	p1 =	slt.u32 s9, $0xF7A;
	s5 =	simm.s32 @!p2 $0x0  }
0x1d: {  	s5 =	simm.s32 @p1 $0x1;
	p0 =	seq.s32 s7, s2  }
0x1e: {  	s7 =	smul.u32 @!p0 $0xF7A, s2;
	p2 =	seq.s32 @!p0 s5, $0x0  }
0x1f: {  	s9 =	smul.u32 $0xF7A, s1;
	s8 =	simm.s32 @!p0 $0x1BF5;
	p2 =	por !p2, p0  }
0x20: {  	[sflag:s8] =	ssyncset.s32 @!p0 $0xFFFFF086;
	s6 =	sadd.s32 @!p0 s3, s7;
	s7 =	simm.s32 @!p0 $0x108  }
0x21: {  	s3 =	sadd.s32 s3, s9;
	s6 =	sadd.s32 @!p0 $0x88, s6;
	s7 =	simm.s32 @p2 $0x1082  }
0x22: {  	[simem:s7], [sflag:s8] =	dma.local @!p0 [hbm:s6], $0xF7A  }
0x23: {  	s9 =	sor.u32 $0xD0000000, s2;
	s6 =	simm.s32 $0x108;
	_ =	swait.ge @!p0 [sflag:s8], $0x0  }
0x24: {  	s3 =	sadd.s32 $0x88, s3;
	s6 =	simm.s32 @!p1 $0x1082;
	[sflag:s4] =	ssyncset.s32 $0xFFFFF086  }
0x25: {  	[simem:s6], [sflag:s4] =	dma.local [hbm:s3], $0xF7A  }
0x26: {  	[smem:$0x3F9F] =	sst s1;
	(tag) =	ssettag s2;
	_ =	strace s9  }
0x27: {  	s1 =	sld [smem:$0x3FAF]  }
0x28: {  	s2 =	sld [smem:$0x3FB0]  }
0x29: {  	s4 =	sld [smem:$0x3FB2]  }
0x2a: {  	p0 =	seq.s32 s5, $0x0;
	s5 =	sld [smem:$0x3FB3]  }
0x2b: {  	s6 =	sld [smem:$0x3FB4]  }
0x2c: {  	s7 =	sld [smem:$0x3FB5]  }
0x2d: {  	s3 =	simm.s32 $0x108;
	s8 =	sld [smem:$0x3FB6]  }
0x2e: {  	s3 =	simm.s32 @!p0 $0x1082;
	s9 =	sld [smem:$0x3FB7]  }
0x2f: {  	lr =	sadd.s32 s0, s3;
	s0 =	sld [smem:$0x3FAE]  }
0x30: {  	s3 =	sld [smem:$0x3FB1]  }
0x31: {  	[smem:$0x3FBA] =	sst s10  }
0x32: {  	s10 =	sld [smem:$0x3FB8];
	_ =	sdelay $0x3  }
0x33: {  	p0 =	seq.s32 s10, $0x1;
	s10 =	sld [smem:$0x3FBA];
	_ =	sdelay $0x3  }
0x34: {  	[smem:$0x3FBA] =	sst s10  }
0x35: {  	s10 =	sld [smem:$0x3FB9];
	_ =	sdelay $0x3  }
0x36: {  	p1 =	seq.s32 s10, $0x1;
	s10 =	sld [smem:$0x3FBA];
	_ =	sdelay $0x3  }
0x37: {  	[smem:$0x3FBA] =	sst s10  }
0x38: {  	s10 =	sld [smem:$0x3FBB]  }
0x39: {  	_ = 	snop;
	(pc) =	sbr.ind lr, $3  }
0x3a: {  	_ = 	snop  }
0x3b: {  	_ = 	snop  }
0x3c: {  	p2 =	seq.s32 s10, $0x1;
	s10 =	sld [smem:$0x3FBA]  }
0x3d: {  	_ =	shalt  }
0x3e: {  	_ =	shalt  }
0x3f: {  	_ =	shalt  }
0x40: {  	_ =	shalt  }
0x41: {  	_ =	shalt  }
0x42: {  	_ =	shalt  }
0x43: {  	_ =	shalt  }
0x44: {  	_ =	shalt  }
0x45: {  	_ =	shalt  }
0x46: {  	_ =	shalt  }
0x47: {  	_ =	shalt  }
0x48: {  	_ =	shalt  }
0x49: {  	_ =	shalt  }
0x4a: {  	_ =	shalt  }
0x4b: {  	_ =	shalt  }
0x4c: {  	_ =	shalt  }
0x4d: {  	_ =	shalt  }
0x4e: {  	_ =	shalt  }
0x4f: {  	_ =	shalt  }
0x50: {  	_ =	shalt  }
0x51: {  	_ =	shalt  }
0x52: {  	_ =	shalt  }
0x53: {  	_ =	shalt  }
0x54: {  	_ =	shalt  }
0x55: {  	_ =	shalt  }
0x56: {  	_ =	shalt  }
0x57: {  	_ =	shalt  }
0x58: {  	_ =	shalt  }
0x59: {  	_ =	shalt  }
0x5a: {  	_ =	shalt  }
0x5b: {  	_ =	shalt  }
0x5c: {  	_ =	shalt  }
0x5d: {  	_ =	shalt  }
0x5e: {  	_ =	shalt  }
0x5f: {  	_ =	shalt  }
0x60: {  	_ =	shalt  }
0x61: {  	_ =	shalt  }
0x62: {  	_ =	shalt  }
0x63: {  	_ =	shalt  }
0x64: {  	_ =	shalt  }
0x65: {  	_ =	shalt  }
0x66: {  	_ =	shalt  }
0x67: {  	_ =	shalt  }
0x68: {  	_ =	shalt  }
0x69: {  	_ =	shalt  }
0x6a: {  	_ =	shalt  }
0x6b: {  	_ =	shalt  }
0x6c: {  	_ =	shalt  }
0x6d: {  	_ =	shalt  }
0x6e: {  	_ =	shalt  }
0x6f: {  	_ =	shalt  }
0x70: {  	_ =	shalt  }
0x71: {  	_ =	shalt  }
0x72: {  	_ =	shalt  }
0x73: {  	_ =	shalt  }
0x74: {  	_ =	shalt  }
0x75: {  	_ =	shalt  }
0x76: {  	_ =	shalt  }
0x77: {  	_ =	shalt  }
0x78: {  	_ =	shalt  }
0x79: {  	_ =	shalt  }
0x7a: {  	_ =	shalt  }
0x7b: {  	_ =	shalt  }
0x7c: {  	_ =	shalt  }
0x7d: {  	_ =	shalt  }
0x7e: {  	_ =	shalt  }
0x7f: {  	_ =	shalt  }
0x80: {  	_ =	shalt  }
0x81: {  	_ =	shalt  }
0x82: {  	_ =	shalt  }
0x83: {  	_ =	shalt  }
0x84: {  	_ =	shalt  }
0x85: {  	_ =	shalt  }
0x86: {  	_ =	shalt  }
0x87: {  	_ =	shalt  }
.Lfunc_end0:
.L_simem_size_0:
called_computation_lowered:
.L_overlay_start_0:
0x88: {  	s2 =	sld [smem:$0x3FD9]  }
0x89: {  	s3 =	sld [smem:$0x3FFE];
	_ =	sdelay $0x1  }
0x8a: {  	s1 =	srdreg.scid  }
0x8b: {  	s0 =	sand.u32 $0x1, s1  }
0x8c: {  	s18 =	sshll.u32 s0, $0xA;
	s2 =	sadd.s32 s3, s2  }
0x8d: {  	s2 =	sadd.s32 s2, s18  }
0x8e: {  	[smem:$0x3FC6] =	sst s2  }
0x8f: {  	_ = 	snop  }
0x90: {  	s2 =	sld [smem:$0x3FC9]  }
0x91: {  	s19 =	sld [smem:$0x3FC8]  }
0x92: {  	s4 =	sld [smem:$0x3FD0];
	(tm) =	ssettm $0x1  }
0x93: {  	s5 =	sld [smem:$0x3FFB];
	_ =	sdelay $0x3  }
0x94: {  	_ =	strace s5  }
0x95: {  	s5 =	sld [smem:$0x3FFC];
	_ =	sdelay $0x3  }
0x96: {  	_ =	strace s5  }
0x97: {  	s5 =	sld [smem:$0x3FFD];
	_ =	sdelay $0x3  }
0x98: {  	_ =	strace s5  }
0x99: {  	_ =	strace $0x8FFFFFFF  }
0x9a: {  	s20 =	sld [smem:$0x3FDB];
	_ =	sdelay $0x1  }
0x9b: {  	s6 =	simm.s32 $_scs_section_size  }
0x9c: {  	s7 =	simm.s32 $_size__tile_overlayer_lowered;
	s8 =	simm.s32 $_tile_overlayer_lowered  }
0x9d: {  	s23 =	simm.s32 $0x1BFF;
	s22 =	sshll.u32 s8, $0x1;
	s5 =	sadd.s32 s6, s20  }
0x9e: {  	s9 =	simm.s32 $0x0;
	s21 =	sshll.u32 s7, $0x1;
	s7 =	sadd.s32 s22, s5  }
0x9f: {  	[timem:s9], [sflag:s23] =	dma.local [hbm:s7], s21  }
0xa0: {  	_ =	swait.ge [sflag:s23], s21  }
0xa1: {  	s6 =	ssub.s32 $0x0, s21;
	[sflag:s23] =	ssyncset.done $0x0  }
0xa2: {  	[sflag:s23] =	ssyncadd.s32 s6;
	_ =	sdelay $0x1  }
0xa3: {  	s24 =	simm.s32 $0x1B8B  }
0xa4: {  	_ =	swait.ge [sflag:s24], $0x1  }
0xa5: {  	[sflag:s24] =	ssyncset.done $0x0  }
0xa6: {  	s25 =	simm.s32 $0x1B8E;
	[sflag:s24] =	ssyncadd.s32 $0xFFFFFFFF  }
0xa7: {  	s26 =	simm.s32 $execute0_lowered;
	[smem:$0x3FD2] =	sst s25  }
0xa8: {  	s6 =	sshll.u32 s26, $0x1;
	_ =	strace $0x80000046;
	[dreg:$0x1] =	wrdreg $0xFFFFFFFF  }
0xa9: {  	s28 =	simm.s32 $_size_execute0_lowered;
	s5 =	sadd.s32 s5, s6;
	[dreg:$0x0] =	wrdreg $0x0  }
0xaa: {  	s6 =	sshll.u32 s28, $0x1;
	[dreg:$0x2] =	wrdreg s5  }
0xab: {  	[dreg:$0x3] =	wrdreg s6  }
0xac: {  	[dreg:$0x4] =	wrdreg $0xC0  }
0xad: {  	_ =	task [dreg:s9], $0x5FFFF  }
0xae: {  	[dreg:$0x1] =	wrdreg $0xFFFFFFFF  }
0xaf: {  	[dreg:$0x0] =	wrdreg $0x60  }
0xb0: {  	[dreg:$0x2] =	wrdreg s2  }
0xb1: {  	[dreg:$0x3] =	wrdreg s19  }
0xb2: {  	[dreg:$0x4] =	wrdreg s4  }
0xb3: {  	[dreg:$0x5] =	wrdreg $0x9  }
0xb4: {  	_ =	task.clear_ibuf [dreg:s9], $0x6FFFF;
	_ =	strace $0x90000046  }
0xb5: {  	s29 =	simm.s32 $0x9;
	_ =	strace $0x80000048  }
0xb6: {  	_ =	swait.ge [sflag:s29], $0x1  }
0xb7: {  	[sflag:s29] =	ssyncadd.s32 $0xFFFFFFFF  }
0xb8: {  	_ =	strace $0x90000048  }
0xb9: {  	_ =	sfence  }
0xba: {  	s30 =	sld [smem:$0x0];
	_ =	sdelay $0x2  }
0xbb: {  	s31 =	sshll.u32 s1, $0xD;
	s1 =	sshrl.u32 s1, $0x2  }
0xbc: {  	s3 =	sand.u32 $0x4000, s31;
	s1 =	sadd.s32 s1, s30  }
0xbd: {  	s0 =	sor.u32 s3, s0;
	s1 =	sshll.u32 s1, $0x11  }
0xbe: {  	s0 =	sor.u32 s1, s0  }
0xbf: {  	s0 =	sadd.s32 $0x8F2B, s0  }
0xc0: {  	[sflag:s0] =	ssyncadd.remote.s32 $0x1  }
0xc1: {  	_ =	sfence.sel $0xFFFF  }
0xc2: {  	[dreg:$0x0] =	wrdreg $0xFFFFFFFF;
	(pc) =	sbr.abs _section_cstart, $3  }
0xc3: {  	[dreg:$0x1] =	wrdreg $0xFFFFFFFF  }
0xc4: {  	_ =	task.clear_ibuf [dreg:s9], $0x2FFFF;
	_ =	strace $0x9FFFFFFF  }
0xc5: {  	(tm) =	ssettm $0x7FFFFFFF  }
tec
execute0_lowered:
.L_overlay_start_1:
0x0: {  	(tag) =	ssettag $0x1  }
0x1: {  	s2 =	rddreg [dreg:$0x0]  }
0x2: {  	s0 =	rddreg [dreg:$0x1]  }
0x3: {  	s1 =	srdreg.scid;
	s4 =	stileid.u32  }
0x4: {  	s3 =	rddreg [dreg:$0x2];
	s5 =	sshll.u32 s4, $0x8;
	s4 =	simm.s32 $0x0  }
0x5: {  	s29 =	simm.s32 $0x9;
	s18 =	sadd.s32 $0x80000, s2;
	[smem:$0x7FF] =	sst s4  }
0x6: {  	s9 =	sadd.s32 $0x100000, s2;
	_ =	strace $0x80000047;
	[dreg:$0x7] =	wrdreg s18  }
0x7: {  	s30 =	simm.s32 $0x1;
	s20 =	sadd.s32 $0x180000, s2;
	[dreg:$0x8] =	wrdreg s9  }
0x8: {  	s1 =	sand.u32 $0x1, s1;
	s22 =	sadd.s32 $0x80000, s3;
	[dreg:$0xb] =	wrdreg s20  }
0x9: {  	s23 =	sadd.s32 $0x100000, s3;
	s6 =	sshll.u32 s1, $0x7;
	[dreg:$0xe] =	wrdreg s22  }
0xa: {  	s25 =	sadd.s32 $0x180000, s3;
	s5 =	sor.u32 s6, s5;
	[dreg:$0x10] =	wrdreg s23  }
0xb: {  	[dreg:$0x12] =	wrdreg s25;
	s7 =	sshll.u32 s5, $0x7;
	s5 =	sshrl.u32 s5, $0x3  }
0xc: {  	s31 =	simm.s32 $0x2;
	s1 =	ssub.s32 $0x2, s1;
	[dreg:$0xf] =	wrdreg s5  }
0xd: {  	s16 =	sshrl.u32 s1, $0x1;
	s8 =	sadd.s32 s2, s7;
	[dreg:$0x4] =	wrdreg s7  }
0xe: {  	s1 =	ssub.s32 s1, s16;
	s19 =	sadd.s32 s7, s9;
	[dreg:$0x6] =	wrdreg s8  }
0xf: {  	s11 =	simm.s32 $0xC000;
	s1 =	smax.u32 s1, $0x1;
	[dreg:$0xa] =	wrdreg s19  }
0x10: {  	s13 =	simm.s32 $0xA;
	s24 =	sor.u32 $0x800, s7;
	[dreg:$0x13] =	wrdreg s1  }
0x11: {  	s14 =	simm.s32 $0x5;
	s17 =	sadd.s32 s0, s7;
	[dreg:$0x11] =	wrdreg s24  }
0x12: {  	s28 =	simm.s32 $0x8;
	s8 =	sadd.s32 s7, s18;
	[dreg:$0x5] =	wrdreg s17  }
.Ltmp0:
0x13: {  	s21 =	sadd.s32 $0x400, s17;
	[dreg:$0x9] =	wrdreg s8;
	(pc) =	sbr.rel .LBB2_1-.Ltmp0, $4  }
0x14: {  	s23 =	simm.s32 $0x3;
	s0 =	sadd.s32 s0, s24;
	[dreg:$0xd] =	wrdreg s21  }
0x15: {  	s6 =	simm.s32 $0x7;
	s26 =	sadd.s32 $0xC00, s17;
	[dreg:$0x14] =	wrdreg s0  }
0x16: {  	s1 =	simm.s32 $0x0;
	s8 =	sadd.s32 s7, s20;
	[dreg:$0x15] =	wrdreg s26  }
0x17: {  	s7 =	simm.s32 $0x4;
	s20 =	simm.s32 $0x6;
	[dreg:$0xc] =	wrdreg s8  }
.LBB2_12:
0x18: {  	_ =	swait.ge [sflag:s14], $0x2000  }
0x19: {  	[sflag:s14] =	ssyncset.done $0x0  }
0x1a: {  	[sflag:s14] =	ssyncadd.s32 $0xFFFFE000  }
0x1b: {  	_ =	swait.ge [sflag:s20], $0x2000  }
0x1c: {  	[sflag:s20] =	ssyncset.done $0x0  }
0x1d: {  	[sflag:s20] =	ssyncadd.s32 $0xFFFFE000  }
0x1e: {  	_ =	swait.ge [sflag:s6], $0x2000  }
0x1f: {  	[sflag:s6] =	ssyncset.done $0x0  }
0x20: {  	[sflag:s6] =	ssyncadd.s32 $0xFFFFE000  }
0x21: {  	_ =	swait.ge [sflag:s28], $0x2000  }
0x22: {  	s1 =	rddreg [dreg:$0x16]  }
0x23: {  	s0 =	rddreg [dreg:$0x13];
	s1 =	sadd.s32 $0x1, s1  }
0x24: {  	p0 =	sne.s32 s1, s0  }
.Ltmp1:
0x25: {  	_ = 	snop;
	(pc) =	sbr.rel @!p0 .LBB2_13-.Ltmp1, $3  }
0x26: {  	_ =	sdelay $0x1  }
0x27: {  	[sflag:s28] =	ssyncset.done $0x0  }
0x28: {  	[sflag:s28] =	ssyncadd.s32 $0xFFFFE000  }
.LBB2_1:
0x29: {  	[dreg:$0x16] =	wrdreg s1  }
0x2a: {  	s0 =	rddreg [dreg:$0x5];
	s15 =	simm.s32 $0x10000  }
0x2b: {  	[tilespmem:s15], [sflag:$0x9] =	stream.linear.gather [hbm4b:s0+s4], $0x2000, $0x38;
	[tilespmem:$0x14000] =	vst v63  }
0x2c: {  	s16 =	rddreg [dreg:$0x6]  }
0x2d: {  	[tilespmem:s4], [sflag:$0x1] =	stream.linear.gather [hbm4b:s16+s4], $0x2000, $0x38;
	[tilespmem:$0x14000] =	vst v63  }
0x2e: {  	s17 =	rddreg [dreg:$0x9];
	s18 =	simm.s32 $0x2000  }
0x2f: {  	[tilespmem:s18], [sflag:$0x2] =	stream.linear.gather [hbm4b:s17+s4], $0x2000, $0x38;
	[tilespmem:$0x14000] =	vst v63  }
0x30: {  	s19 =	rddreg [dreg:$0xa];
	s21 =	simm.s32 $0x4000  }
0x31: {  	[tilespmem:s21], [sflag:$0x3] =	stream.linear.gather [hbm4b:s19+s4], $0x2000, $0x38;
	[tilespmem:$0x14000] =	vst v63  }
0x32: {  	s22 =	rddreg [dreg:$0xc];
	s24 =	simm.s32 $0x6000  }
0x33: {  	[tilespmem:s24], [sflag:$0x4] =	stream.linear.gather [hbm4b:s22+s4], $0x2000, $0x38;
	[tilespmem:$0x14000] =	vst v63  }
0x34: {  	s25 =	rddreg [dreg:$0xd];
	s26 =	simm.s32 $0x12000;
	s24 =	simm.s32 $0x0  }
0x35: {  	[tilespmem:s26], [sflag:$0xA] =	stream.linear.gather [hbm4b:s25+s4], $0x2000, $0x38;
	[tilespmem:$0x14000] =	vst v63  }
.LBB2_2:
0x36: {  	_ =	swait.ge [sflag:s29], $0x2000  }
0x37: {  	[sflag:s29] =	ssyncset.done $0x0  }
0x38: {  	[sflag:s29] =	ssyncadd.s32 $0xFFFFE000  }
0x39: {  	_ =	swait.ge [sflag:s30], $0x2000  }
0x3a: {  	[sflag:s30] =	ssyncset.done $0x0  }
0x3b: {  	[sflag:s30] =	ssyncadd.s32 $0xFFFFE000  }
0x3c: {  	_ =	swait.ge [sflag:s31], $0x2000  }
0x3d: {  	p0 =	seq.s32 s24, $0x0;
	[sflag:s31] =	ssyncset.done $0x0  }
0x3e: {  	s8 =	simm.s32 @!p0 $0x5;
	[sflag:s31] =	ssyncadd.s32 $0xFFFFE000  }
0x3f: {  	_ =	swait.ge @!p0 [sflag:s8], $0x2000  }
0x40: {  	s5 =	simm.s32 $0x0;
	[sflag:s8] =	ssyncset.done @!p0 $0x0  }
0x41: {  	s9 =	sand.u32 $0x3, s5;
	[sflag:s8] =	ssyncadd.s32 @!p0 $0xFFFFE000;
	s8 =	simm.s32 @!p0 $0x6  }
0x42: {  	s9 =	sshll.u32 s9, $0xB;
	_ =	swait.ge @!p0 [sflag:s8], $0x2000  }
0x43: {  	s9 =	sadd.s32 $0x0, s9;
	[sflag:s8] =	ssyncset.done @!p0 $0x0  }
0x44: {  	s12 =	sor.u32 $0x470, s9;
	[sflag:s8] =	ssyncadd.s32 @!p0 $0xFFFFE000  }
0x45: {  	v0 =	vld [tilespmem:s12+$0x10000]  }
0x46: {  	s15 =	sor.u32 $0x60, s9;
	v1 =	vld [tilespmem:s12+$0x2000]  }
0x47: {  	v2 =	vld [tilespmem:s15+$0x10000]  }
0x48: {  	v3 =	vld [tilespmem:s15+$0x0]  }
0x49: {  	s16 =	sor.u32 $0x70, s9;
	v4 =	vld [tilespmem:s15+$0x2000]  }
0x4a: {  	v5 =	vld [tilespmem:s16+$0x10000]  }
0x4b: {  	v6 =	vld [tilespmem:s16+$0x0]  }
0x4c: {  	s9 =	sor.u32 $0x460, s9;
	v7 =	vld [tilespmem:s16+$0x2000]  }
0x4d: {  	v8 =	vld [tilespmem:s9+$0x10000]  }
0x4e: {  	v9 =	vld [tilespmem:s9+$0x0]  }
0x4f: {  	s26 =	sand.u32 $0x1800, s5;
	s17 =	sand.u32 $0x380, s5;
	v10 =	vld [tilespmem:s9+$0x2000]  }
0x50: {  	s8 =	sor.u32 s17, s26;
	v11 =	vld [tilespmem:s12+$0x0]  }
0x51: {  	v12 =	vld [tilespmem:s8+$0x10000]  }
0x52: {  	v13 =	vld [tilespmem:s8+$0x0]  }
0x53: {  	v14 =	vld [tilespmem:s8+$0x2000]  }
0x54: {  	v15 =	vld [tilespmem:s8+$0x10010]  }
0x55: {  	v16 =	vld [tilespmem:s8+$0x10]  }
0x56: {  	v17 =	vld [tilespmem:s8+$0x2010]  }
0x57: {  	v18 =	vld [tilespmem:s8+$0x10020];
	v1 =	vadd.f32 v1, v0  }
0x58: {  	v19 =	vld [tilespmem:s8+$0x20];
	v3 =	vadd.f32 v3, v2  }
0x59: {  	v58 =	vld [tilespmem:s8+$0x10050];
	v0 =	vadd.f32 v11, v0;
	[tilespmem:s12+$0xA000] =	vst v1  }
0x5a: {  	v59 =	vld [tilespmem:s8+$0x50];
	v1 =	vadd.f32 v4, v2;
	[tilespmem:s15+$0x8000] =	vst v3  }
0x5b: {  	v61 =	vld [tilespmem:s8+$0x10400];
	v3 =	vadd.f32 v6, v5;
	[tilespmem:s12+$0x8000] =	vst v0  }
0x5c: {  	v2 =	vld [tilespmem:s8+$0x2020];
	[tilespmem:s15+$0xA000] =	vst v1;
	v1 =	vadd.f32 v7, v5  }
0x5d: {  	v4 =	vld [tilespmem:s8+$0x10030];
	v0 =	vadd.f32 v14, v12;
	[tilespmem:s16+$0x8000] =	vst v3  }
0x5e: {  	v6 =	vld [tilespmem:s8+$0x2030];
	[tilespmem:s16+$0xA000] =	vst v1;
	v1 =	vadd.f32 v10, v8  }
0x5f: {  	v5 =	vld [tilespmem:s8+$0x30];
	v3 =	vadd.f32 v9, v8;
	[tilespmem:s8+$0xA000] =	vst v0  }
0x60: {  	v7 =	vld [tilespmem:s8+$0x10040];
	[tilespmem:s9+$0xA000] =	vst v1;
	v1 =	vadd.f32 v13, v12  }
0x61: {  	v0 =	vadd.f32 v17, v15;
	[tilespmem:s9+$0x8000] =	vst v3;
	v3 =	vld [tilespmem:s8+$0x40]  }
0x62: {  	v8 =	vld [tilespmem:s8+$0x2040];
	[tilespmem:s8+$0x8000] =	vst v1;
	v1 =	vadd.f32 v16, v15  }
0x63: {  	[tilespmem:s8+$0xA010] =	vst v0;
	v0 =	vadd.f32 v2, v18;
	v2 =	vld [tilespmem:s8+$0x400]  }
0x64: {  	v60 =	vld [tilespmem:s8+$0x2050];
	[tilespmem:s8+$0x8010] =	vst v1;
	v1 =	vadd.f32 v19, v18  }
0x65: {  	v62 =	vld [tilespmem:s8+$0x420];
	[tilespmem:s8+$0xA020] =	vst v0;
	v0 =	vadd.f32 v6, v4  }
0x66: {  	v6 =	vld [tilespmem:s8+$0x10410];
	[tilespmem:s8+$0x8020] =	vst v1;
	v1 =	vadd.f32 v5, v4  }
0x67: {  	[tilespmem:s8+$0xA030] =	vst v0;
	v0 =	vadd.f32 v8, v7;
	v5 =	vld [tilespmem:s8+$0x2400]  }
0x68: {  	v2 =	vadd.f32 v2, v61;
	[tilespmem:s8+$0x8030] =	vst v1;
	v1 =	vadd.f32 v3, v7;
	v3 =	vld [tilespmem:s8+$0x410]  }
0x69: {  	[tilespmem:s8+$0xA040] =	vst v0;
	v7 =	vld [tilespmem:s8+$0x2410]  }
0x6a: {  	v8 =	vld [tilespmem:s8+$0x10420];
	v0 =	vadd.f32 v60, v58;
	[tilespmem:s8+$0x8400] =	vst v2  }
0x6b: {  	v63 =	vld [tilespmem:s8+$0x2420];
	[tilespmem:s8+$0x8040] =	vst v1;
	v1 =	vadd.f32 v59, v58  }
0x6c: {  	v4 =	vld [tilespmem:s8+$0x430];
	[tilespmem:s8+$0xA050] =	vst v0;
	v0 =	vadd.f32 v5, v61  }
0x6d: {  	[tilespmem:s8+$0x8050] =	vst v1;
	v1 =	vld [tilespmem:s8+$0x10430];
	v3 =	vadd.f32 v3, v6  }
0x6e: {  	v2 =	vld [tilespmem:s8+$0x2430];
	[tilespmem:s8+$0xA400] =	vst v0;
	v5 =	vadd.f32 v7, v6  }
0x6f: {  	s12 =	simm.s32 $0x0;
	v0 =	vld [tilespmem:s8+$0x10440];
	v6 =	vadd.f32 v62, v8;
	[tilespmem:s8+$0x8410] =	vst v3  }
0x70: {  	s15 =	simm.s32 $0x800;
	s16 =	simm.s32 $0x1;
	s9 =	sshll.u32 s24, $0x1;
	[tilespmem:s8+$0xA410] =	vst v5;
	v5 =	vadd.f32 v63, v8;
	v3 =	vld [tilespmem:s8+$0x440]  }
.LBB2_3:
0x71: {  	s17 =	sand.u32 $0x3, s16;
	s18 =	sand.u32 $0x1800, s15;
	[tilespmem:s8+$0x8420] =	vst v6;
	v6 =	vld [tilespmem:s8+$0x2440]  }
0x72: {  	s12 =	sadd.s32 $0x100, s12;
	s5 =	sadd.s32 $0x20, s5;
	s17 =	sshll.u32 s17, $0xB;
	[tilespmem:s8+$0xA420] =	vst v5;
	v4 =	vadd.f32 v4, v1;
	v5 =	vld [tilespmem:s8+$0x10450]  }
0x73: {  	s22 =	sand.u32 $0x380, s5;
	p1 =	slt.u32 s12, $0x1F00;
	s19 =	sadd.s32 s17, s5;
	v1 =	vadd.f32 v2, v1;
	v2 =	vld [tilespmem:s8+$0x450]  }
0x74: {  	s25 =	sor.u32 $0x60, s19;
	s26 =	sor.u32 $0x70, s19;
	s17 =	sor.u32 $0x470, s19;
	[tilespmem:s8+$0x8430] =	vst v4;
	v4 =	vld [tilespmem:s8+$0x2450]  }
0x75: {  	s18 =	sor.u32 s22, s18;
	s19 =	sor.u32 $0x460, s19;
	v7 =	vld [tilespmem:s17+$0x10000];
	[tilespmem:s8+$0xA430] =	vst v1;
	v1 =	vadd.f32 v3, v0  }
0x76: {  	v3 =	vld [tilespmem:s17+$0x2000];
	v0 =	vadd.f32 v6, v0  }
0x77: {  	v6 =	vld [tilespmem:s25+$0x10000];
	[tilespmem:s8+$0x8440] =	vst v1  }
0x78: {  	v1 =	vld [tilespmem:s25+$0x0];
	[tilespmem:s8+$0xA440] =	vst v0;
	v0 =	vadd.f32 v2, v5  }
0x79: {  	v2 =	vld [tilespmem:s25+$0x2000];
	v4 =	vadd.f32 v4, v5  }
0x7a: {  	v5 =	vld [tilespmem:s26+$0x10000];
	[tilespmem:s8+$0x8450] =	vst v0  }
0x7b: {  	v0 =	vld [tilespmem:s26+$0x0];
	v3 =	vadd.f32 v3, v7;
	[tilespmem:s8+$0xA450] =	vst v4;
	s8 =	smov.u32 s18  }
0x7c: {  	v4 =	vld [tilespmem:s26+$0x2000]  }
0x7d: {  	v1 =	vadd.f32 v1, v6;
	v8 =	vld [tilespmem:s19+$0x10000];
	[tilespmem:s17+$0xA000] =	vst v3  }
0x7e: {  	v2 =	vadd.f32 v2, v6;
	v3 =	vld [tilespmem:s19+$0x0]  }
0x7f: {  	[tilespmem:s25+$0x8000] =	vst v1;
	v1 =	vld [tilespmem:s19+$0x2000]  }
0x80: {  	[tilespmem:s25+$0xA000] =	vst v2;
	v0 =	vadd.f32 v0, v5;
	v2 =	vld [tilespmem:s17+$0x0]  }
0x81: {  	v6 =	vld [tilespmem:s8+$0x10000];
	v4 =	vadd.f32 v4, v5  }
0x82: {  	v5 =	vld [tilespmem:s8+$0x0];
	[tilespmem:s26+$0x8000] =	vst v0  }
0x83: {  	v0 =	vld [tilespmem:s8+$0x2000];
	[tilespmem:s26+$0xA000] =	vst v4;
	v3 =	vadd.f32 v3, v8  }
0x84: {  	v4 =	vld [tilespmem:s8+$0x10010];
	v1 =	vadd.f32 v1, v8  }
0x85: {  	v8 =	vld [tilespmem:s8+$0x10];
	[tilespmem:s19+$0x8000] =	vst v3;
	v2 =	vadd.f32 v2, v7  }
0x86: {  	v3 =	vld [tilespmem:s8+$0x2010];
	[tilespmem:s19+$0xA000] =	vst v1  }
0x87: {  	v1 =	vadd.f32 v5, v6;
	v5 =	vld [tilespmem:s8+$0x10020];
	[tilespmem:s17+$0x8000] =	vst v2  }
0x88: {  	v0 =	vadd.f32 v0, v6;
	v2 =	vld [tilespmem:s8+$0x20]  }
0x89: {  	[tilespmem:s8+$0x8000] =	vst v1;
	v1 =	vld [tilespmem:s8+$0x2020]  }
0x8a: {  	[tilespmem:s8+$0xA000] =	vst v0;
	v0 =	vadd.f32 v8, v4;
	v6 =	vld [tilespmem:s8+$0x10030]  }
0x8b: {  	v3 =	vadd.f32 v3, v4;
	v4 =	vld [tilespmem:s8+$0x30]  }
0x8c: {  	[tilespmem:s8+$0x8010] =	vst v0;
	v0 =	vld [tilespmem:s8+$0x2030]  }
0x8d: {  	[tilespmem:s8+$0xA010] =	vst v3;
	v2 =	vadd.f32 v2, v5;
	v3 =	vld [tilespmem:s8+$0x10040]  }
0x8e: {  	v1 =	vadd.f32 v1, v5;
	v5 =	vld [tilespmem:s8+$0x40]  }
0x8f: {  	[tilespmem:s8+$0x8020] =	vst v2;
	v2 =	vld [tilespmem:s8+$0x2040]  }
0x90: {  	[tilespmem:s8+$0xA020] =	vst v1;
	v1 =	vadd.f32 v4, v6;
	v4 =	vld [tilespmem:s8+$0x10050]  }
0x91: {  	v0 =	vadd.f32 v0, v6;
	v6 =	vld [tilespmem:s8+$0x50]  }
0x92: {  	[tilespmem:s8+$0x8030] =	vst v1;
	v1 =	vld [tilespmem:s8+$0x2050]  }
0x93: {  	[tilespmem:s8+$0xA030] =	vst v0;
	v0 =	vadd.f32 v5, v3;
	v5 =	vld [tilespmem:s8+$0x10400]  }
0x94: {  	v2 =	vadd.f32 v2, v3;
	v3 =	vld [tilespmem:s8+$0x400]  }
0x95: {  	[tilespmem:s8+$0x8040] =	vst v0;
	v0 =	vld [tilespmem:s8+$0x2400]  }
0x96: {  	[tilespmem:s8+$0xA040] =	vst v2;
	v2 =	vadd.f32 v6, v4;
	v6 =	vld [tilespmem:s8+$0x10410]  }
0x97: {  	v1 =	vadd.f32 v1, v4;
	v4 =	vld [tilespmem:s8+$0x410]  }
0x98: {  	[tilespmem:s8+$0x8050] =	vst v2;
	v2 =	vld [tilespmem:s8+$0x2410]  }
0x99: {  	[tilespmem:s8+$0xA050] =	vst v1;
	v1 =	vadd.f32 v3, v5;
	v3 =	vld [tilespmem:s8+$0x10420]  }
0x9a: {  	v0 =	vadd.f32 v0, v5;
	v5 =	vld [tilespmem:s8+$0x420]  }
0x9b: {  	[tilespmem:s8+$0x8400] =	vst v1;
	v7 =	vld [tilespmem:s8+$0x2420]  }
.Ltmp2:
0x9c: {  	[tilespmem:s8+$0xA400] =	vst v0;
	v0 =	vadd.f32 v4, v6;
	v1 =	vld [tilespmem:s8+$0x10430];
	(pc) =	sbr.rel @p1 .LBB2_3-.Ltmp2, $4  }
0x9d: {  	v6 =	vadd.f32 v2, v6;
	v4 =	vld [tilespmem:s8+$0x430]  }
0x9e: {  	[tilespmem:s8+$0x8410] =	vst v0;
	v2 =	vld [tilespmem:s8+$0x2430]  }
0x9f: {  	[tilespmem:s8+$0xA410] =	vst v6;
	v6 =	vadd.f32 v5, v3;
	v0 =	vld [tilespmem:s8+$0x10440]  }
0xa0: {  	s15 =	sadd.s32 $0x800, s15;
	s16 =	sadd.s32 $0x1, s16;
	v5 =	vadd.f32 v7, v3;
	v3 =	vld [tilespmem:s8+$0x440]  }
0xa1: {  	v7 =	vld [tilespmem:s8+$0x2440]  }
0xa2: {  	v8 =	vld [tilespmem:s8+$0x10450]  }
0xa3: {  	v9 =	vld [tilespmem:s8+$0x450]  }
0xa4: {  	[tilespmem:s8+$0x8420] =	vst v6;
	v4 =	vadd.f32 v4, v1  }
0xa5: {  	v6 =	vld [tilespmem:s8+$0x2450];
	[tilespmem:s8+$0xA420] =	vst v5;
	v1 =	vadd.f32 v2, v1  }
0xa6: {  	[tilespmem:s8+$0x8430] =	vst v4;
	v2 =	vadd.f32 v3, v0  }
0xa7: {  	[tilespmem:s8+$0xA430] =	vst v1;
	v0 =	vadd.f32 v7, v0  }
0xa8: {  	v1 =	vadd.f32 v9, v8;
	[tilespmem:s8+$0x8440] =	vst v2  }
0xa9: {  	[tilespmem:s8+$0xA440] =	vst v0  }
0xaa: {  	v0 =	vadd.f32 v6, v8;
	[tilespmem:s8+$0x8450] =	vst v1  }
0xab: {  	s25 =	sshll.u32 s24, $0xB;
	s0 =	rddreg [dreg:$0x4]  }
0xac: {  	s1 =	simm.s32 $0x8000;
	s5 =	sadd.s32 s0, s25;
	[tilespmem:s8+$0xA450] =	vst v0  }
0xad: {  	s26 =	sor.u32 $0x1, s9;
	s0 =	sadd.s32 s3, s5;
	s16 =	rddreg [dreg:$0xf]  }
0xae: {  	[hbm4b:s0+s4] =	stream.linear.scatter [tilespmem:s1], [sflag:$0x5], $0x2000, $0x38;
	[tilespmem:$0x14000] =	vst v63  }
0xaf: {  	s10 =	rddreg [dreg:$0xe];
	s17 =	sor.u32 s16, s26  }
0xb0: {  	s15 =	simm.s32 $0xA000;
	s12 =	sadd.s32 s5, s10;
	s22 =	sshll.u32 s17, $0xA  }
0xb1: {  	[hbm4b:s12+s4] =	stream.linear.scatter [tilespmem:s15], [sflag:$0x6], $0x2000, $0x38;
	[tilespmem:$0x14000] =	vst v63  }
0xb2: {  	s8 =	sadd.s32 s2, s22;
	s9 =	sor.u32 $0x80000, s22  }
0xb3: {  	[tilespmem:s4], [sflag:$0x1] =	stream.linear.gather [hbm4b:s8+s4], $0x2000, $0x38;
	[tilespmem:$0x14000] =	vst v63  }
0xb4: {  	s19 =	simm.s32 $0x2000;
	s18 =	sadd.s32 s2, s9  }
0xb5: {  	[tilespmem:s19], [sflag:$0x2] =	stream.linear.gather [hbm4b:s18+s4], $0x2000, $0x38;
	[tilespmem:$0x14000] =	vst v63  }
0xb6: {  	_ =	swait.ge [sflag:s23], $0x2000  }
0xb7: {  	[sflag:s23] =	ssyncset.done $0x0  }
0xb8: {  	[sflag:s23] =	ssyncadd.s32 $0xFFFFE000  }
0xb9: {  	_ =	swait.ge [sflag:s7], $0x2000  }
0xba: {  	[sflag:s7] =	ssyncset.done $0x0  }
0xbb: {  	s12 =	simm.s32 @!p0 $0x7;
	[sflag:s7] =	ssyncadd.s32 $0xFFFFE000  }
0xbc: {  	_ =	swait.ge @!p0 [sflag:s12], $0x2000  }
0xbd: {  	s8 =	simm.s32 $0x0;
	[sflag:s12] =	ssyncset.done @!p0 $0x0  }
0xbe: {  	s15 =	sand.u32 $0x3, s8;
	[sflag:s12] =	ssyncadd.s32 @!p0 $0xFFFFE000;
	s12 =	simm.s32 @!p0 $0x8  }
0xbf: {  	s15 =	sshll.u32 s15, $0xB;
	_ =	swait.ge @!p0 [sflag:s12], $0x2000  }
0xc0: {  	s15 =	sadd.s32 $0x0, s15;
	[sflag:s12] =	ssyncset.done @!p0 $0x0  }
0xc1: {  	s16 =	sor.u32 $0x470, s15;
	[sflag:s12] =	ssyncadd.s32 @!p0 $0xFFFFE000  }
0xc2: {  	v0 =	vld [tilespmem:s16+$0x10000]  }
0xc3: {  	s17 =	sor.u32 $0x60, s15;
	v1 =	vld [tilespmem:s16+$0x6000]  }
0xc4: {  	v2 =	vld [tilespmem:s17+$0x10000]  }
0xc5: {  	v3 =	vld [tilespmem:s17+$0x4000]  }
0xc6: {  	s18 =	sor.u32 $0x70, s15;
	v4 =	vld [tilespmem:s17+$0x6000]  }
0xc7: {  	v5 =	vld [tilespmem:s18+$0x10000]  }
0xc8: {  	v6 =	vld [tilespmem:s18+$0x4000]  }
0xc9: {  	s15 =	sor.u32 $0x460, s15;
	v7 =	vld [tilespmem:s18+$0x6000]  }
0xca: {  	v8 =	vld [tilespmem:s15+$0x10000]  }
0xcb: {  	v57 =	vld [tilespmem:s15+$0x4000]  }
0xcc: {  	s21 =	sand.u32 $0x1800, s8;
	s19 =	sand.u32 $0x380, s8;
	v10 =	vld [tilespmem:s15+$0x6000]  }
0xcd: {  	s12 =	sor.u32 s19, s21;
	v11 =	vld [tilespmem:s16+$0x4000]  }
0xce: {  	v12 =	vld [tilespmem:s12+$0x10000]  }
0xcf: {  	v13 =	vld [tilespmem:s12+$0x4000]  }
0xd0: {  	v14 =	vld [tilespmem:s12+$0x6000]  }
0xd1: {  	v15 =	vld [tilespmem:s12+$0x10010]  }
0xd2: {  	v16 =	vld [tilespmem:s12+$0x4010]  }
0xd3: {  	v17 =	vld [tilespmem:s12+$0x6010]  }
0xd4: {  	v18 =	vld [tilespmem:s12+$0x10020];
	v1 =	vadd.f32 v1, v0  }
0xd5: {  	v19 =	vld [tilespmem:s12+$0x4020];
	v3 =	vadd.f32 v3, v2  }
0xd6: {  	v58 =	vld [tilespmem:s12+$0x10050];
	v0 =	vadd.f32 v11, v0;
	[tilespmem:s16+$0xE000] =	vst v1  }
0xd7: {  	v59 =	vld [tilespmem:s12+$0x4050];
	v1 =	vadd.f32 v4, v2;
	[tilespmem:s17+$0xC000] =	vst v3  }
0xd8: {  	v61 =	vld [tilespmem:s12+$0x10400];
	v3 =	vadd.f32 v6, v5;
	[tilespmem:s16+$0xC000] =	vst v0  }
0xd9: {  	v2 =	vld [tilespmem:s12+$0x6020];
	[tilespmem:s17+$0xE000] =	vst v1;
	v1 =	vadd.f32 v7, v5  }
0xda: {  	v4 =	vld [tilespmem:s12+$0x10030];
	v0 =	vadd.f32 v14, v12;
	[tilespmem:s18+$0xC000] =	vst v3  }
0xdb: {  	v6 =	vld [tilespmem:s12+$0x6030];
	[tilespmem:s18+$0xE000] =	vst v1;
	v1 =	vadd.f32 v10, v8  }
0xdc: {  	v5 =	vld [tilespmem:s12+$0x4030];
	v3 =	vadd.f32 v57, v8;
	[tilespmem:s12+$0xE000] =	vst v0  }
0xdd: {  	v7 =	vld [tilespmem:s12+$0x10040];
	[tilespmem:s15+$0xE000] =	vst v1;
	v1 =	vadd.f32 v13, v12  }
0xde: {  	v0 =	vadd.f32 v17, v15;
	[tilespmem:s15+$0xC000] =	vst v3;
	v3 =	vld [tilespmem:s12+$0x4040]  }
0xdf: {  	v8 =	vld [tilespmem:s12+$0x6040];
	[tilespmem:s12+$0xC000] =	vst v1;
	v1 =	vadd.f32 v16, v15  }
0xe0: {  	[tilespmem:s12+$0xE010] =	vst v0;
	v0 =	vadd.f32 v2, v18;
	v2 =	vld [tilespmem:s12+$0x4400]  }
0xe1: {  	v60 =	vld [tilespmem:s12+$0x6050];
	[tilespmem:s12+$0xC010] =	vst v1;
	v1 =	vadd.f32 v19, v18  }
0xe2: {  	v62 =	vld [tilespmem:s12+$0x4420];
	[tilespmem:s12+$0xE020] =	vst v0;
	v0 =	vadd.f32 v6, v4  }
0xe3: {  	v6 =	vld [tilespmem:s12+$0x10410];
	[tilespmem:s12+$0xC020] =	vst v1;
	v1 =	vadd.f32 v5, v4  }
0xe4: {  	[tilespmem:s12+$0xE030] =	vst v0;
	v0 =	vadd.f32 v8, v7;
	v5 =	vld [tilespmem:s12+$0x6400]  }
0xe5: {  	v2 =	vadd.f32 v2, v61;
	[tilespmem:s12+$0xC030] =	vst v1;
	v1 =	vadd.f32 v3, v7;
	v3 =	vld [tilespmem:s12+$0x4410]  }
0xe6: {  	[tilespmem:s12+$0xE040] =	vst v0;
	v7 =	vld [tilespmem:s12+$0x6410]  }
0xe7: {  	v8 =	vld [tilespmem:s12+$0x10420];
	v0 =	vadd.f32 v60, v58;
	[tilespmem:s12+$0xC400] =	vst v2  }
0xe8: {  	v63 =	vld [tilespmem:s12+$0x6420];
	[tilespmem:s12+$0xC040] =	vst v1;
	v1 =	vadd.f32 v59, v58  }
0xe9: {  	v4 =	vld [tilespmem:s12+$0x4430];
	[tilespmem:s12+$0xE050] =	vst v0;
	v0 =	vadd.f32 v5, v61  }
0xea: {  	[tilespmem:s12+$0xC050] =	vst v1;
	v1 =	vld [tilespmem:s12+$0x10430];
	v2 =	vadd.f32 v3, v6  }
0xeb: {  	[tilespmem:s12+$0xE400] =	vst v0;
	v5 =	vadd.f32 v7, v6;
	v3 =	vld [tilespmem:s12+$0x6430]  }
0xec: {  	v0 =	vld [tilespmem:s12+$0x10440];
	v6 =	vadd.f32 v62, v8;
	[tilespmem:s12+$0xC410] =	vst v2  }
0xed: {  	s16 =	simm.s32 $0x800;
	s17 =	simm.s32 $0x1;
	s15 =	simm.s32 $0x0;
	[tilespmem:s12+$0xE410] =	vst v5;
	v5 =	vadd.f32 v63, v8;
	v2 =	vld [tilespmem:s12+$0x4440]  }
.LBB2_5:
0xee: {  	s18 =	sand.u32 $0x3, s17;
	s21 =	sand.u32 $0x1800, s16;
	[tilespmem:s12+$0xC420] =	vst v6;
	v6 =	vld [tilespmem:s12+$0x6440]  }
0xef: {  	s15 =	sadd.s32 $0x100, s15;
	s8 =	sadd.s32 $0x20, s8;
	s18 =	sshll.u32 s18, $0xB;
	[tilespmem:s12+$0xE420] =	vst v5;
	v4 =	vadd.f32 v4, v1;
	v5 =	vld [tilespmem:s12+$0x10450]  }
0xf0: {  	s0 =	sand.u32 $0x380, s8;
	p0 =	slt.u32 s15, $0x1F00;
	s18 =	sadd.s32 s18, s8;
	v1 =	vadd.f32 v3, v1;
	v3 =	vld [tilespmem:s12+$0x4450]  }
0xf1: {  	s1 =	sor.u32 $0x60, s18;
	s10 =	sor.u32 $0x70, s18;
	s19 =	sor.u32 $0x470, s18;
	[tilespmem:s12+$0xC430] =	vst v4;
	v4 =	vld [tilespmem:s12+$0x6450]  }
0xf2: {  	s0 =	sor.u32 s0, s21;
	s18 =	sor.u32 $0x460, s18;
	v7 =	vld [tilespmem:s19+$0x10000];
	[tilespmem:s12+$0xE430] =	vst v1;
	v1 =	vadd.f32 v2, v0  }
0xf3: {  	v2 =	vld [tilespmem:s19+$0x6000];
	v0 =	vadd.f32 v6, v0  }
0xf4: {  	v6 =	vld [tilespmem:s1+$0x10000];
	[tilespmem:s12+$0xC440] =	vst v1  }
0xf5: {  	v1 =	vld [tilespmem:s1+$0x4000];
	[tilespmem:s12+$0xE440] =	vst v0;
	v0 =	vadd.f32 v3, v5  }
0xf6: {  	v3 =	vld [tilespmem:s1+$0x6000];
	v4 =	vadd.f32 v4, v5  }
0xf7: {  	v5 =	vld [tilespmem:s10+$0x10000];
	[tilespmem:s12+$0xC450] =	vst v0  }
0xf8: {  	v0 =	vld [tilespmem:s10+$0x4000];
	v2 =	vadd.f32 v2, v7;
	[tilespmem:s12+$0xE450] =	vst v4;
	s12 =	smov.u32 s0  }
0xf9: {  	v4 =	vld [tilespmem:s10+$0x6000]  }
0xfa: {  	v1 =	vadd.f32 v1, v6;
	v8 =	vld [tilespmem:s18+$0x10000];
	[tilespmem:s19+$0xE000] =	vst v2  }
0xfb: {  	v2 =	vadd.f32 v3, v6;
	v3 =	vld [tilespmem:s18+$0x4000]  }
0xfc: {  	[tilespmem:s1+$0xC000] =	vst v1;
	v1 =	vld [tilespmem:s18+$0x6000]  }
0xfd: {  	[tilespmem:s1+$0xE000] =	vst v2;
	v0 =	vadd.f32 v0, v5;
	v2 =	vld [tilespmem:s19+$0x4000]  }
0xfe: {  	v6 =	vld [tilespmem:s12+$0x10000];
	v4 =	vadd.f32 v4, v5  }
0xff: {  	v5 =	vld [tilespmem:s12+$0x4000];
	[tilespmem:s10+$0xC000] =	vst v0  }
0x100: {  	v0 =	vld [tilespmem:s12+$0x6000];
	[tilespmem:s10+$0xE000] =	vst v4;
	v3 =	vadd.f32 v3, v8  }
0x101: {  	v4 =	vld [tilespmem:s12+$0x10010];
	v1 =	vadd.f32 v1, v8  }
0x102: {  	v8 =	vld [tilespmem:s12+$0x4010];
	[tilespmem:s18+$0xC000] =	vst v3;
	v2 =	vadd.f32 v2, v7  }
0x103: {  	v3 =	vld [tilespmem:s12+$0x6010];
	[tilespmem:s18+$0xE000] =	vst v1  }
0x104: {  	v1 =	vadd.f32 v5, v6;
	v5 =	vld [tilespmem:s12+$0x10020];
	[tilespmem:s19+$0xC000] =	vst v2  }
0x105: {  	v0 =	vadd.f32 v0, v6;
	v2 =	vld [tilespmem:s12+$0x4020]  }
0x106: {  	[tilespmem:s12+$0xC000] =	vst v1;
	v1 =	vld [tilespmem:s12+$0x6020]  }
0x107: {  	[tilespmem:s12+$0xE000] =	vst v0;
	v0 =	vadd.f32 v8, v4;
	v6 =	vld [tilespmem:s12+$0x10030]  }
0x108: {  	v3 =	vadd.f32 v3, v4;
	v4 =	vld [tilespmem:s12+$0x4030]  }
0x109: {  	[tilespmem:s12+$0xC010] =	vst v0;
	v0 =	vld [tilespmem:s12+$0x6030]  }
0x10a: {  	[tilespmem:s12+$0xE010] =	vst v3;
	v2 =	vadd.f32 v2, v5;
	v3 =	vld [tilespmem:s12+$0x10040]  }
0x10b: {  	v1 =	vadd.f32 v1, v5;
	v5 =	vld [tilespmem:s12+$0x4040]  }
0x10c: {  	[tilespmem:s12+$0xC020] =	vst v2;
	v2 =	vld [tilespmem:s12+$0x6040]  }
0x10d: {  	[tilespmem:s12+$0xE020] =	vst v1;
	v1 =	vadd.f32 v4, v6;
	v4 =	vld [tilespmem:s12+$0x10050]  }
0x10e: {  	v0 =	vadd.f32 v0, v6;
	v6 =	vld [tilespmem:s12+$0x4050]  }
0x10f: {  	[tilespmem:s12+$0xC030] =	vst v1;
	v1 =	vld [tilespmem:s12+$0x6050]  }
0x110: {  	[tilespmem:s12+$0xE030] =	vst v0;
	v0 =	vadd.f32 v5, v3;
	v5 =	vld [tilespmem:s12+$0x10400]  }
0x111: {  	v2 =	vadd.f32 v2, v3;
	v3 =	vld [tilespmem:s12+$0x4400]  }
0x112: {  	[tilespmem:s12+$0xC040] =	vst v0;
	v0 =	vld [tilespmem:s12+$0x6400]  }
0x113: {  	[tilespmem:s12+$0xE040] =	vst v2;
	v2 =	vadd.f32 v6, v4;
	v6 =	vld [tilespmem:s12+$0x10410]  }
0x114: {  	v1 =	vadd.f32 v1, v4;
	v4 =	vld [tilespmem:s12+$0x4410]  }
0x115: {  	[tilespmem:s12+$0xC050] =	vst v2;
	v2 =	vld [tilespmem:s12+$0x6410]  }
0x116: {  	[tilespmem:s12+$0xE050] =	vst v1;
	v1 =	vadd.f32 v3, v5;
	v7 =	vld [tilespmem:s12+$0x10420]  }
0x117: {  	v0 =	vadd.f32 v0, v5;
	v5 =	vld [tilespmem:s12+$0x4420]  }
0x118: {  	[tilespmem:s12+$0xC400] =	vst v1;
	v8 =	vld [tilespmem:s12+$0x6420]  }
.Ltmp3:
0x119: {  	[tilespmem:s12+$0xE400] =	vst v0;
	v0 =	vadd.f32 v4, v6;
	v1 =	vld [tilespmem:s12+$0x10430];
	(pc) =	sbr.rel @p0 .LBB2_5-.Ltmp3, $4  }
0x11a: {  	v2 =	vadd.f32 v2, v6;
	v4 =	vld [tilespmem:s12+$0x4430]  }
0x11b: {  	[tilespmem:s12+$0xC410] =	vst v0;
	v3 =	vld [tilespmem:s12+$0x6430]  }
0x11c: {  	[tilespmem:s12+$0xE410] =	vst v2;
	v6 =	vadd.f32 v5, v7;
	v0 =	vld [tilespmem:s12+$0x10440]  }
0x11d: {  	s16 =	sadd.s32 $0x800, s16;
	s17 =	sadd.s32 $0x1, s17;
	v5 =	vadd.f32 v8, v7;
	v2 =	vld [tilespmem:s12+$0x4440]  }
0x11e: {  	v7 =	vld [tilespmem:s12+$0x6440]  }
0x11f: {  	v8 =	vld [tilespmem:s12+$0x10450]  }
0x120: {  	v9 =	vld [tilespmem:s12+$0x4450]  }
0x121: {  	[tilespmem:s12+$0xC420] =	vst v6;
	v6 =	vld [tilespmem:s12+$0x6450];
	v4 =	vadd.f32 v4, v1  }
0x122: {  	[tilespmem:s12+$0xE420] =	vst v5;
	v1 =	vadd.f32 v3, v1  }
0x123: {  	[tilespmem:s12+$0xC430] =	vst v4;
	v2 =	vadd.f32 v2, v0  }
0x124: {  	[tilespmem:s12+$0xE430] =	vst v1;
	v0 =	vadd.f32 v7, v0  }
0x125: {  	v1 =	vadd.f32 v9, v8;
	[tilespmem:s12+$0xC440] =	vst v2  }
0x126: {  	[tilespmem:s12+$0xE440] =	vst v0;
	v0 =	vadd.f32 v6, v8  }
0x127: {  	[tilespmem:s12+$0xC450] =	vst v1  }
0x128: {  	[tilespmem:s12+$0xE450] =	vst v0  }
0x129: {  	s0 =	rddreg [dreg:$0x10]  }
0x12a: {  	s0 =	sadd.s32 s5, s0  }
0x12b: {  	[hbm4b:s0+s4] =	stream.linear.scatter [tilespmem:s11], [sflag:$0x7], $0x2000, $0x38;
	[tilespmem:$0x14000] =	vst v63  }
0x12c: {  	s1 =	simm.s32 $0xE000;
	s11 =	rddreg [dreg:$0x12]  }
0x12d: {  	s8 =	sor.u32 $0x100000, s22;
	s15 =	simm.s32 $0x4000;
	s0 =	sadd.s32 s5, s11  }
0x12e: {  	[hbm4b:s0+s4] =	stream.linear.scatter [tilespmem:s1], [sflag:$0x8], $0x2000, $0x38;
	[tilespmem:$0x14000] =	vst v63  }
0x12f: {  	s17 =	simm.s32 $0x6000;
	s12 =	sadd.s32 s2, s8;
	s5 =	sor.u32 $0x180000, s22  }
0x130: {  	[tilespmem:s15], [sflag:$0x3] =	stream.linear.gather [hbm4b:s12+s4], $0x2000, $0x38;
	[tilespmem:$0x14000] =	vst v63  }
0x131: {  	p0 =	seq.s32 s24, $0x7;
	s16 =	sadd.s32 s2, s5;
	s0 =	rddreg [dreg:$0x14]  }
0x132: {  	[tilespmem:s17], [sflag:$0x4] =	stream.linear.gather [hbm4b:s16+s4], $0x2000, $0x38;
	[tilespmem:$0x14000] =	vst v63  }
0x133: {  	s10 =	simm.s32 @!p0 $0x10000;
	s1 =	simm.s32 @!p0 $0x0;
	s0 =	sadd.s32 @!p0 s0, s25  }
0x134: {  	[tilespmem:s10], [sflag:$0x9] =	stream.linear.gather @!p0 [hbm4b:s0+s1], $0x2000, $0x38;
	[tilespmem:$0x14000] =	vst v63  }
0x135: {  	_ =	swait.ge [sflag:s13], $0x2000  }
0x136: {  	[sflag:s13] =	ssyncset.done $0x0  }
0x137: {  	[sflag:s13] =	ssyncadd.s32 $0xFFFFE000  }
0x138: {  	_ =	swait.ge [sflag:s30], $0x2000  }
0x139: {  	[sflag:s30] =	ssyncset.done $0x0  }
0x13a: {  	[sflag:s30] =	ssyncadd.s32 $0xFFFFE000  }
0x13b: {  	_ =	swait.ge [sflag:s31], $0x2000  }
0x13c: {  	[sflag:s31] =	ssyncset.done $0x0  }
0x13d: {  	[sflag:s31] =	ssyncadd.s32 $0xFFFFE000  }
0x13e: {  	_ =	swait.ge [sflag:s14], $0x2000  }
0x13f: {  	s12 =	simm.s32 $0x0;
	[sflag:s14] =	ssyncset.done $0x0  }
0x140: {  	s18 =	sand.u32 $0x3, s12;
	[sflag:s14] =	ssyncadd.s32 $0xFFFFE000  }
0x141: {  	s0 =	sshll.u32 s18, $0xB;
	_ =	swait.ge [sflag:s20], $0x2000  }
0x142: {  	s0 =	sadd.s32 $0x0, s0;
	[sflag:s20] =	ssyncset.done $0x0  }
0x143: {  	s19 =	sor.u32 $0x470, s0;
	[sflag:s20] =	ssyncadd.s32 $0xFFFFE000  }
0x144: {  	v0 =	vld [tilespmem:s19+$0x12000]  }
0x145: {  	s21 =	sor.u32 $0x60, s0;
	v1 =	vld [tilespmem:s19+$0x2000]  }
0x146: {  	v2 =	vld [tilespmem:s21+$0x12000]  }
0x147: {  	v3 =	vld [tilespmem:s21+$0x0]  }
0x148: {  	s16 =	sor.u32 $0x70, s0;
	v4 =	vld [tilespmem:s21+$0x2000]  }
0x149: {  	v5 =	vld [tilespmem:s16+$0x12000]  }
0x14a: {  	v6 =	vld [tilespmem:s16+$0x0]  }
0x14b: {  	s0 =	sor.u32 $0x460, s0;
	v7 =	vld [tilespmem:s16+$0x2000]  }
0x14c: {  	v8 =	vld [tilespmem:s0+$0x12000]  }
0x14d: {  	v57 =	vld [tilespmem:s0+$0x0]  }
0x14e: {  	s15 =	sand.u32 $0x1800, s12;
	s17 =	sand.u32 $0x380, s12;
	v10 =	vld [tilespmem:s0+$0x2000]  }
0x14f: {  	s15 =	sor.u32 s17, s15;
	v11 =	vld [tilespmem:s19+$0x0]  }
0x150: {  	v12 =	vld [tilespmem:s15+$0x12000]  }
0x151: {  	v13 =	vld [tilespmem:s15+$0x0]  }
0x152: {  	v14 =	vld [tilespmem:s15+$0x2000]  }
0x153: {  	v15 =	vld [tilespmem:s15+$0x12010]  }
0x154: {  	v16 =	vld [tilespmem:s15+$0x10]  }
0x155: {  	v17 =	vld [tilespmem:s15+$0x2010]  }
0x156: {  	v18 =	vld [tilespmem:s15+$0x12020];
	v3 =	vadd.f32 v3, v2  }
0x157: {  	v58 =	vld [tilespmem:s15+$0x2040];
	v2 =	vadd.f32 v4, v2  }
0x158: {  	v59 =	vld [tilespmem:s15+$0x12050];
	v1 =	vadd.f32 v1, v0;
	[tilespmem:s21+$0x8000] =	vst v3  }
0x159: {  	v60 =	vld [tilespmem:s15+$0x50];
	v0 =	vadd.f32 v11, v0;
	[tilespmem:s21+$0xA000] =	vst v2  }
0x15a: {  	v61 =	vld [tilespmem:s15+$0x2050];
	v2 =	vadd.f32 v6, v5;
	[tilespmem:s19+$0xA000] =	vst v1  }
0x15b: {  	v62 =	vld [tilespmem:s15+$0x420];
	v1 =	vadd.f32 v7, v5;
	[tilespmem:s19+$0x8000] =	vst v0  }
0x15c: {  	v3 =	vld [tilespmem:s15+$0x2020];
	v0 =	vadd.f32 v14, v12;
	[tilespmem:s16+$0x8000] =	vst v2  }
0x15d: {  	v6 =	vld [tilespmem:s15+$0x12030];
	v2 =	vadd.f32 v57, v8;
	[tilespmem:s16+$0xA000] =	vst v1  }
0x15e: {  	v7 =	vld [tilespmem:s15+$0x2030];
	v1 =	vadd.f32 v10, v8;
	[tilespmem:s15+$0xA000] =	vst v0  }
0x15f: {  	v4 =	vld [tilespmem:s15+$0x20];
	v0 =	vadd.f32 v17, v15;
	[tilespmem:s0+$0x8000] =	vst v2  }
0x160: {  	v8 =	vld [tilespmem:s15+$0x12040];
	[tilespmem:s0+$0xA000] =	vst v1;
	v1 =	vadd.f32 v13, v12  }
0x161: {  	v5 =	vld [tilespmem:s15+$0x30];
	[tilespmem:s15+$0xA010] =	vst v0;
	v0 =	vadd.f32 v3, v18  }
0x162: {  	v2 =	vld [tilespmem:s15+$0x40];
	[tilespmem:s15+$0x8000] =	vst v1;
	v1 =	vadd.f32 v16, v15  }
0x163: {  	v3 =	vld [tilespmem:s15+$0x400];
	[tilespmem:s15+$0xA020] =	vst v0;
	v0 =	vadd.f32 v7, v6  }
0x164: {  	[tilespmem:s15+$0x8010] =	vst v1;
	v1 =	vadd.f32 v4, v18;
	v4 =	vld [tilespmem:s15+$0x12400]  }
0x165: {  	v7 =	vld [tilespmem:s15+$0x2410];
	[tilespmem:s15+$0xA030] =	vst v0;
	v0 =	vadd.f32 v58, v8  }
0x166: {  	[tilespmem:s15+$0x8020] =	vst v1;
	v1 =	vadd.f32 v5, v6;
	v5 =	vld [tilespmem:s15+$0x2400]  }
0x167: {  	v6 =	vld [tilespmem:s15+$0x12410];
	[tilespmem:s15+$0xA040] =	vst v0;
	v0 =	vadd.f32 v61, v59  }
0x168: {  	[tilespmem:s15+$0x8030] =	vst v1;
	v1 =	vadd.f32 v2, v8;
	v2 =	vld [tilespmem:s15+$0x410]  }
0x169: {  	v8 =	vld [tilespmem:s15+$0x12420];
	v3 =	vadd.f32 v3, v4;
	[tilespmem:s15+$0xA050] =	vst v0  }
0x16a: {  	v63 =	vld [tilespmem:s15+$0x2420];
	[tilespmem:s15+$0x8040] =	vst v1;
	v1 =	vadd.f32 v60, v59  }
0x16b: {  	v0 =	vadd.f32 v5, v4;
	[tilespmem:s15+$0x8400] =	vst v3;
	v4 =	vld [tilespmem:s15+$0x430]  }
0x16c: {  	v5 =	vadd.f32 v7, v6;
	[tilespmem:s15+$0x8050] =	vst v1;
	v1 =	vld [tilespmem:s15+$0x12430]  }
0x16d: {  	v3 =	vld [tilespmem:s15+$0x2430];
	v2 =	vadd.f32 v2, v6;
	[tilespmem:s15+$0xA400] =	vst v0  }
0x16e: {  	v0 =	vld [tilespmem:s15+$0x12440];
	[tilespmem:s15+$0xA410] =	vst v5;
	v6 =	vadd.f32 v62, v8  }
0x16f: {  	s17 =	simm.s32 $0x800;
	s19 =	simm.s32 $0x1;
	s16 =	simm.s32 $0x0;
	v5 =	vadd.f32 v63, v8;
	[tilespmem:s15+$0x8410] =	vst v2;
	v2 =	vld [tilespmem:s15+$0x440]  }
.LBB2_7:
0x170: {  	s0 =	sand.u32 $0x3, s19;
	s1 =	sand.u32 $0x1800, s17;
	[tilespmem:s15+$0x8420] =	vst v6;
	v6 =	vld [tilespmem:s15+$0x2440]  }
0x171: {  	s16 =	sadd.s32 $0x100, s16;
	s12 =	sadd.s32 $0x20, s12;
	s0 =	sshll.u32 s0, $0xB;
	[tilespmem:s15+$0xA420] =	vst v5;
	v4 =	vadd.f32 v4, v1;
	v5 =	vld [tilespmem:s15+$0x12450]  }
0x172: {  	s10 =	sand.u32 $0x380, s12;
	p1 =	slt.u32 s16, $0x1F00;
	s0 =	sadd.s32 s0, s12;
	v1 =	vadd.f32 v3, v1;
	v3 =	vld [tilespmem:s15+$0x450]  }
0x173: {  	s21 =	sor.u32 $0x60, s0;
	s11 =	sor.u32 $0x70, s0;
	s18 =	sor.u32 $0x470, s0;
	[tilespmem:s15+$0x8430] =	vst v4;
	v4 =	vld [tilespmem:s15+$0x2450]  }
0x174: {  	s1 =	sor.u32 s10, s1;
	s0 =	sor.u32 $0x460, s0;
	v7 =	vld [tilespmem:s18+$0x12000];
	[tilespmem:s15+$0xA430] =	vst v1;
	v1 =	vadd.f32 v2, v0  }
0x175: {  	v2 =	vld [tilespmem:s18+$0x2000];
	v0 =	vadd.f32 v6, v0  }
0x176: {  	v6 =	vld [tilespmem:s21+$0x12000];
	[tilespmem:s15+$0x8440] =	vst v1  }
0x177: {  	v1 =	vld [tilespmem:s21+$0x0];
	[tilespmem:s15+$0xA440] =	vst v0;
	v0 =	vadd.f32 v3, v5  }
0x178: {  	v3 =	vld [tilespmem:s21+$0x2000];
	v4 =	vadd.f32 v4, v5  }
0x179: {  	v5 =	vld [tilespmem:s11+$0x12000];
	[tilespmem:s15+$0x8450] =	vst v0  }
0x17a: {  	v0 =	vld [tilespmem:s11+$0x0];
	v2 =	vadd.f32 v2, v7;
	[tilespmem:s15+$0xA450] =	vst v4;
	s15 =	smov.u32 s1  }
0x17b: {  	v4 =	vld [tilespmem:s11+$0x2000]  }
0x17c: {  	v1 =	vadd.f32 v1, v6;
	v8 =	vld [tilespmem:s0+$0x12000];
	[tilespmem:s18+$0xA000] =	vst v2  }
0x17d: {  	v2 =	vadd.f32 v3, v6;
	v3 =	vld [tilespmem:s0+$0x0]  }
0x17e: {  	[tilespmem:s21+$0x8000] =	vst v1;
	v1 =	vld [tilespmem:s0+$0x2000]  }
0x17f: {  	[tilespmem:s21+$0xA000] =	vst v2;
	v0 =	vadd.f32 v0, v5;
	v2 =	vld [tilespmem:s18+$0x0]  }
0x180: {  	v6 =	vld [tilespmem:s15+$0x12000];
	v4 =	vadd.f32 v4, v5  }
0x181: {  	v5 =	vld [tilespmem:s15+$0x0];
	[tilespmem:s11+$0x8000] =	vst v0  }
0x182: {  	v0 =	vld [tilespmem:s15+$0x2000];
	[tilespmem:s11+$0xA000] =	vst v4;
	v3 =	vadd.f32 v3, v8  }
0x183: {  	v4 =	vld [tilespmem:s15+$0x12010];
	v1 =	vadd.f32 v1, v8  }
0x184: {  	v8 =	vld [tilespmem:s15+$0x10];
	[tilespmem:s0+$0x8000] =	vst v3;
	v2 =	vadd.f32 v2, v7  }
0x185: {  	v3 =	vld [tilespmem:s15+$0x2010];
	[tilespmem:s0+$0xA000] =	vst v1  }
0x186: {  	v1 =	vadd.f32 v5, v6;
	v5 =	vld [tilespmem:s15+$0x12020];
	[tilespmem:s18+$0x8000] =	vst v2  }
0x187: {  	v0 =	vadd.f32 v0, v6;
	v2 =	vld [tilespmem:s15+$0x20]  }
0x188: {  	[tilespmem:s15+$0x8000] =	vst v1;
	v1 =	vld [tilespmem:s15+$0x2020]  }
0x189: {  	[tilespmem:s15+$0xA000] =	vst v0;
	v0 =	vadd.f32 v8, v4;
	v6 =	vld [tilespmem:s15+$0x12030]  }
0x18a: {  	v3 =	vadd.f32 v3, v4;
	v4 =	vld [tilespmem:s15+$0x30]  }
0x18b: {  	[tilespmem:s15+$0x8010] =	vst v0;
	v0 =	vld [tilespmem:s15+$0x2030]  }
0x18c: {  	[tilespmem:s15+$0xA010] =	vst v3;
	v2 =	vadd.f32 v2, v5;
	v3 =	vld [tilespmem:s15+$0x12040]  }
0x18d: {  	v1 =	vadd.f32 v1, v5;
	v5 =	vld [tilespmem:s15+$0x40]  }
0x18e: {  	[tilespmem:s15+$0x8020] =	vst v2;
	v2 =	vld [tilespmem:s15+$0x2040]  }
0x18f: {  	[tilespmem:s15+$0xA020] =	vst v1;
	v1 =	vadd.f32 v4, v6;
	v4 =	vld [tilespmem:s15+$0x12050]  }
0x190: {  	v0 =	vadd.f32 v0, v6;
	v6 =	vld [tilespmem:s15+$0x50]  }
0x191: {  	[tilespmem:s15+$0x8030] =	vst v1;
	v1 =	vld [tilespmem:s15+$0x2050]  }
0x192: {  	[tilespmem:s15+$0xA030] =	vst v0;
	v0 =	vadd.f32 v5, v3;
	v5 =	vld [tilespmem:s15+$0x12400]  }
0x193: {  	v2 =	vadd.f32 v2, v3;
	v3 =	vld [tilespmem:s15+$0x400]  }
0x194: {  	[tilespmem:s15+$0x8040] =	vst v0;
	v0 =	vld [tilespmem:s15+$0x2400]  }
0x195: {  	[tilespmem:s15+$0xA040] =	vst v2;
	v2 =	vadd.f32 v6, v4;
	v6 =	vld [tilespmem:s15+$0x12410]  }
0x196: {  	v1 =	vadd.f32 v1, v4;
	v4 =	vld [tilespmem:s15+$0x410]  }
0x197: {  	[tilespmem:s15+$0x8050] =	vst v2;
	v2 =	vld [tilespmem:s15+$0x2410]  }
0x198: {  	[tilespmem:s15+$0xA050] =	vst v1;
	v1 =	vadd.f32 v3, v5;
	v7 =	vld [tilespmem:s15+$0x12420]  }
0x199: {  	v0 =	vadd.f32 v0, v5;
	v5 =	vld [tilespmem:s15+$0x420]  }
0x19a: {  	[tilespmem:s15+$0x8400] =	vst v1;
	v8 =	vld [tilespmem:s15+$0x2420]  }
.Ltmp4:
0x19b: {  	[tilespmem:s15+$0xA400] =	vst v0;
	v0 =	vadd.f32 v4, v6;
	v1 =	vld [tilespmem:s15+$0x12430];
	(pc) =	sbr.rel @p1 .LBB2_7-.Ltmp4, $4  }
0x19c: {  	v2 =	vadd.f32 v2, v6;
	v4 =	vld [tilespmem:s15+$0x430]  }
0x19d: {  	[tilespmem:s15+$0x8410] =	vst v0;
	v3 =	vld [tilespmem:s15+$0x2430]  }
0x19e: {  	[tilespmem:s15+$0xA410] =	vst v2;
	v6 =	vadd.f32 v5, v7;
	v0 =	vld [tilespmem:s15+$0x12440]  }
0x19f: {  	s17 =	sadd.s32 $0x800, s17;
	s19 =	sadd.s32 $0x1, s19;
	v5 =	vadd.f32 v8, v7;
	v2 =	vld [tilespmem:s15+$0x440]  }
0x1a0: {  	v7 =	vld [tilespmem:s15+$0x2440]  }
0x1a1: {  	v8 =	vld [tilespmem:s15+$0x12450]  }
0x1a2: {  	v9 =	vld [tilespmem:s15+$0x450]  }
0x1a3: {  	[tilespmem:s15+$0x8420] =	vst v6;
	v6 =	vld [tilespmem:s15+$0x2450];
	v4 =	vadd.f32 v4, v1  }
0x1a4: {  	[tilespmem:s15+$0xA420] =	vst v5;
	v1 =	vadd.f32 v3, v1  }
0x1a5: {  	[tilespmem:s15+$0x8430] =	vst v4;
	v2 =	vadd.f32 v2, v0  }
0x1a6: {  	[tilespmem:s15+$0xA430] =	vst v1;
	v0 =	vadd.f32 v7, v0  }
0x1a7: {  	v1 =	vadd.f32 v9, v8;
	[tilespmem:s15+$0x8440] =	vst v2  }
0x1a8: {  	[tilespmem:s15+$0xA440] =	vst v0;
	v0 =	vadd.f32 v6, v8  }
0x1a9: {  	[tilespmem:s15+$0x8450] =	vst v1  }
0x1aa: {  	s0 =	sadd.s32 s3, s22;
	s1 =	simm.s32 $0x8000;
	[tilespmem:s15+$0xA450] =	vst v0  }
0x1ab: {  	[hbm4b:s0+s4] =	stream.linear.scatter [tilespmem:s1], [sflag:$0x5], $0x2000, $0x38;
	[tilespmem:$0x14000] =	vst v63  }
0x1ac: {  	p1 =	sgt.u32 s26, $0xE;
	s0 =	rddreg [dreg:$0x11]  }
0x1ad: {  	s17 =	sadd.s32 s3, s9;
	s18 =	simm.s32 $0xA000;
	s9 =	sadd.s32 @!p1 s0, s25  }
0x1ae: {  	[hbm4b:s17+s4] =	stream.linear.scatter [tilespmem:s18], [sflag:$0x6], $0x2000, $0x38;
	[tilespmem:$0x14000] =	vst v63  }
0x1af: {  	s1 =	simm.s32 @!p1 $0x0;
	s0 =	sadd.s32 @!p1 s2, s9  }
0x1b0: {  	[tilespmem:s1], [sflag:$0x1] =	stream.linear.gather @!p1 [hbm4b:s0+s1], $0x2000, $0x38;
	[tilespmem:$0x14000] =	vst v63  }
0x1b1: {  	s0 =	rddreg [dreg:$0x7]  }
0x1b2: {  	s10 =	simm.s32 @!p1 $0x2000;
	s0 =	sadd.s32 @!p1 s9, s0  }
0x1b3: {  	[tilespmem:s10], [sflag:$0x2] =	stream.linear.gather @!p1 [hbm4b:s0+s1], $0x2000, $0x38;
	[tilespmem:$0x14000] =	vst v63  }
0x1b4: {  	_ =	swait.ge [sflag:s23], $0x2000  }
0x1b5: {  	[sflag:s23] =	ssyncset.done $0x0  }
0x1b6: {  	[sflag:s23] =	ssyncadd.s32 $0xFFFFE000  }
0x1b7: {  	_ =	swait.ge [sflag:s7], $0x2000  }
0x1b8: {  	[sflag:s7] =	ssyncset.done $0x0  }
0x1b9: {  	[sflag:s7] =	ssyncadd.s32 $0xFFFFE000  }
0x1ba: {  	_ =	swait.ge [sflag:s6], $0x2000  }
0x1bb: {  	s12 =	simm.s32 $0x0;
	[sflag:s6] =	ssyncset.done $0x0  }
0x1bc: {  	s19 =	sand.u32 $0x3, s12;
	[sflag:s6] =	ssyncadd.s32 $0xFFFFE000  }
0x1bd: {  	s0 =	sshll.u32 s19, $0xB;
	_ =	swait.ge [sflag:s28], $0x2000  }
0x1be: {  	s0 =	sadd.s32 $0x0, s0;
	[sflag:s28] =	ssyncset.done $0x0  }
0x1bf: {  	s21 =	sor.u32 $0x470, s0;
	[sflag:s28] =	ssyncadd.s32 $0xFFFFE000  }
0x1c0: {  	v0 =	vld [tilespmem:s21+$0x12000]  }
0x1c1: {  	s22 =	sor.u32 $0x60, s0;
	v1 =	vld [tilespmem:s21+$0x6000]  }
0x1c2: {  	v2 =	vld [tilespmem:s22+$0x12000]  }
0x1c3: {  	v3 =	vld [tilespmem:s22+$0x4000]  }
0x1c4: {  	s11 =	sor.u32 $0x70, s0;
	v4 =	vld [tilespmem:s22+$0x6000]  }
0x1c5: {  	v5 =	vld [tilespmem:s11+$0x12000]  }
0x1c6: {  	v6 =	vld [tilespmem:s11+$0x4000]  }
0x1c7: {  	s0 =	sor.u32 $0x460, s0;
	v7 =	vld [tilespmem:s11+$0x6000]  }
0x1c8: {  	v8 =	vld [tilespmem:s0+$0x12000]  }
0x1c9: {  	v57 =	vld [tilespmem:s0+$0x4000]  }
0x1ca: {  	s26 =	sand.u32 $0x1800, s12;
	s16 =	sand.u32 $0x380, s12;
	v10 =	vld [tilespmem:s0+$0x6000]  }
0x1cb: {  	s15 =	sor.u32 s16, s26;
	v11 =	vld [tilespmem:s21+$0x4000]  }
0x1cc: {  	v12 =	vld [tilespmem:s15+$0x12000]  }
0x1cd: {  	v13 =	vld [tilespmem:s15+$0x4000]  }
0x1ce: {  	v14 =	vld [tilespmem:s15+$0x6000]  }
0x1cf: {  	v15 =	vld [tilespmem:s15+$0x12010]  }
0x1d0: {  	v16 =	vld [tilespmem:s15+$0x4010]  }
0x1d1: {  	v17 =	vld [tilespmem:s15+$0x6010]  }
0x1d2: {  	v18 =	vld [tilespmem:s15+$0x12020];
	v1 =	vadd.f32 v1, v0  }
0x1d3: {  	v19 =	vld [tilespmem:s15+$0x4020];
	v3 =	vadd.f32 v3, v2  }
0x1d4: {  	v58 =	vld [tilespmem:s15+$0x12050];
	v0 =	vadd.f32 v11, v0;
	[tilespmem:s21+$0xE000] =	vst v1  }
0x1d5: {  	v59 =	vld [tilespmem:s15+$0x4050];
	v1 =	vadd.f32 v4, v2;
	[tilespmem:s22+$0xC000] =	vst v3  }
0x1d6: {  	v61 =	vld [tilespmem:s15+$0x12400];
	v3 =	vadd.f32 v6, v5;
	[tilespmem:s21+$0xC000] =	vst v0  }
0x1d7: {  	v2 =	vld [tilespmem:s15+$0x6020];
	[tilespmem:s22+$0xE000] =	vst v1;
	v1 =	vadd.f32 v7, v5  }
0x1d8: {  	v4 =	vld [tilespmem:s15+$0x12030];
	v0 =	vadd.f32 v14, v12;
	[tilespmem:s11+$0xC000] =	vst v3  }
0x1d9: {  	v6 =	vld [tilespmem:s15+$0x6030];
	[tilespmem:s11+$0xE000] =	vst v1;
	v1 =	vadd.f32 v10, v8  }
0x1da: {  	v5 =	vld [tilespmem:s15+$0x4030];
	v3 =	vadd.f32 v57, v8;
	[tilespmem:s15+$0xE000] =	vst v0  }
0x1db: {  	v7 =	vld [tilespmem:s15+$0x12040];
	[tilespmem:s0+$0xE000] =	vst v1;
	v1 =	vadd.f32 v13, v12  }
0x1dc: {  	v0 =	vadd.f32 v17, v15;
	[tilespmem:s0+$0xC000] =	vst v3;
	v3 =	vld [tilespmem:s15+$0x4040]  }
0x1dd: {  	v8 =	vld [tilespmem:s15+$0x6040];
	[tilespmem:s15+$0xC000] =	vst v1;
	v1 =	vadd.f32 v16, v15  }
0x1de: {  	[tilespmem:s15+$0xE010] =	vst v0;
	v0 =	vadd.f32 v2, v18;
	v2 =	vld [tilespmem:s15+$0x4400]  }
0x1df: {  	v60 =	vld [tilespmem:s15+$0x6050];
	[tilespmem:s15+$0xC010] =	vst v1;
	v1 =	vadd.f32 v19, v18  }
0x1e0: {  	v62 =	vld [tilespmem:s15+$0x4420];
	[tilespmem:s15+$0xE020] =	vst v0;
	v0 =	vadd.f32 v6, v4  }
0x1e1: {  	v6 =	vld [tilespmem:s15+$0x12410];
	[tilespmem:s15+$0xC020] =	vst v1;
	v1 =	vadd.f32 v5, v4  }
0x1e2: {  	[tilespmem:s15+$0xE030] =	vst v0;
	v0 =	vadd.f32 v8, v7;
	v5 =	vld [tilespmem:s15+$0x6400]  }
0x1e3: {  	v2 =	vadd.f32 v2, v61;
	[tilespmem:s15+$0xC030] =	vst v1;
	v1 =	vadd.f32 v3, v7;
	v3 =	vld [tilespmem:s15+$0x4410]  }
0x1e4: {  	[tilespmem:s15+$0xE040] =	vst v0;
	v7 =	vld [tilespmem:s15+$0x6410]  }
0x1e5: {  	v8 =	vld [tilespmem:s15+$0x12420];
	v0 =	vadd.f32 v60, v58;
	[tilespmem:s15+$0xC400] =	vst v2  }
0x1e6: {  	v63 =	vld [tilespmem:s15+$0x6420];
	[tilespmem:s15+$0xC040] =	vst v1;
	v1 =	vadd.f32 v59, v58  }
0x1e7: {  	v4 =	vld [tilespmem:s15+$0x4430];
	[tilespmem:s15+$0xE050] =	vst v0;
	v0 =	vadd.f32 v5, v61  }
0x1e8: {  	[tilespmem:s15+$0xC050] =	vst v1;
	v1 =	vld [tilespmem:s15+$0x12430];
	v2 =	vadd.f32 v3, v6  }
0x1e9: {  	[tilespmem:s15+$0xE400] =	vst v0;
	v5 =	vadd.f32 v7, v6;
	v3 =	vld [tilespmem:s15+$0x6430]  }
0x1ea: {  	v0 =	vld [tilespmem:s15+$0x12440];
	v6 =	vadd.f32 v62, v8;
	[tilespmem:s15+$0xC410] =	vst v2  }
0x1eb: {  	s16 =	simm.s32 $0x0;
	s17 =	simm.s32 $0x800;
	s19 =	simm.s32 $0x1;
	[tilespmem:s15+$0xE410] =	vst v5;
	v5 =	vadd.f32 v63, v8;
	v2 =	vld [tilespmem:s15+$0x4440]  }
.LBB2_9:
0x1ec: {  	s0 =	sand.u32 $0x3, s19;
	s1 =	sand.u32 $0x1800, s17;
	[tilespmem:s15+$0xC420] =	vst v6;
	v6 =	vld [tilespmem:s15+$0x6440]  }
0x1ed: {  	s16 =	sadd.s32 $0x100, s16;
	s12 =	sadd.s32 $0x20, s12;
	s0 =	sshll.u32 s0, $0xB;
	[tilespmem:s15+$0xE420] =	vst v5;
	v4 =	vadd.f32 v4, v1;
	v5 =	vld [tilespmem:s15+$0x12450]  }
0x1ee: {  	s10 =	sand.u32 $0x380, s12;
	p2 =	slt.u32 s16, $0x1F00;
	s0 =	sadd.s32 s0, s12;
	v1 =	vadd.f32 v3, v1;
	v3 =	vld [tilespmem:s15+$0x4450]  }
0x1ef: {  	s11 =	sor.u32 $0x60, s0;
	s21 =	sor.u32 $0x70, s0;
	s18 =	sor.u32 $0x470, s0;
	[tilespmem:s15+$0xC430] =	vst v4;
	v4 =	vld [tilespmem:s15+$0x6450]  }
0x1f0: {  	s1 =	sor.u32 s10, s1;
	s0 =	sor.u32 $0x460, s0;
	v7 =	vld [tilespmem:s18+$0x12000];
	[tilespmem:s15+$0xE430] =	vst v1;
	v1 =	vadd.f32 v2, v0  }
0x1f1: {  	v2 =	vld [tilespmem:s18+$0x6000];
	v0 =	vadd.f32 v6, v0  }
0x1f2: {  	v6 =	vld [tilespmem:s11+$0x12000];
	[tilespmem:s15+$0xC440] =	vst v1  }
0x1f3: {  	v1 =	vld [tilespmem:s11+$0x4000];
	[tilespmem:s15+$0xE440] =	vst v0;
	v0 =	vadd.f32 v3, v5  }
0x1f4: {  	v3 =	vld [tilespmem:s11+$0x6000];
	v4 =	vadd.f32 v4, v5  }
0x1f5: {  	v5 =	vld [tilespmem:s21+$0x12000];
	[tilespmem:s15+$0xC450] =	vst v0  }
0x1f6: {  	v0 =	vld [tilespmem:s21+$0x4000];
	v2 =	vadd.f32 v2, v7;
	[tilespmem:s15+$0xE450] =	vst v4;
	s15 =	smov.u32 s1  }
0x1f7: {  	v4 =	vld [tilespmem:s21+$0x6000]  }
0x1f8: {  	v1 =	vadd.f32 v1, v6;
	v8 =	vld [tilespmem:s0+$0x12000];
	[tilespmem:s18+$0xE000] =	vst v2  }
0x1f9: {  	v2 =	vadd.f32 v3, v6;
	v3 =	vld [tilespmem:s0+$0x4000]  }
0x1fa: {  	[tilespmem:s11+$0xC000] =	vst v1;
	v1 =	vld [tilespmem:s0+$0x6000]  }
0x1fb: {  	[tilespmem:s11+$0xE000] =	vst v2;
	v0 =	vadd.f32 v0, v5;
	v2 =	vld [tilespmem:s18+$0x4000]  }
0x1fc: {  	v6 =	vld [tilespmem:s15+$0x12000];
	v4 =	vadd.f32 v4, v5  }
0x1fd: {  	v5 =	vld [tilespmem:s15+$0x4000];
	[tilespmem:s21+$0xC000] =	vst v0  }
0x1fe: {  	v0 =	vld [tilespmem:s15+$0x6000];
	[tilespmem:s21+$0xE000] =	vst v4;
	v3 =	vadd.f32 v3, v8  }
0x1ff: {  	v4 =	vld [tilespmem:s15+$0x12010];
	v1 =	vadd.f32 v1, v8  }
0x200: {  	v8 =	vld [tilespmem:s15+$0x4010];
	[tilespmem:s0+$0xC000] =	vst v3;
	v2 =	vadd.f32 v2, v7  }
0x201: {  	v3 =	vld [tilespmem:s15+$0x6010];
	[tilespmem:s0+$0xE000] =	vst v1  }
0x202: {  	v1 =	vadd.f32 v5, v6;
	v5 =	vld [tilespmem:s15+$0x12020];
	[tilespmem:s18+$0xC000] =	vst v2  }
0x203: {  	v0 =	vadd.f32 v0, v6;
	v2 =	vld [tilespmem:s15+$0x4020]  }
0x204: {  	[tilespmem:s15+$0xC000] =	vst v1;
	v1 =	vld [tilespmem:s15+$0x6020]  }
0x205: {  	[tilespmem:s15+$0xE000] =	vst v0;
	v0 =	vadd.f32 v8, v4;
	v6 =	vld [tilespmem:s15+$0x12030]  }
0x206: {  	v3 =	vadd.f32 v3, v4;
	v4 =	vld [tilespmem:s15+$0x4030]  }
0x207: {  	[tilespmem:s15+$0xC010] =	vst v0;
	v0 =	vld [tilespmem:s15+$0x6030]  }
0x208: {  	[tilespmem:s15+$0xE010] =	vst v3;
	v2 =	vadd.f32 v2, v5;
	v3 =	vld [tilespmem:s15+$0x12040]  }
0x209: {  	v1 =	vadd.f32 v1, v5;
	v5 =	vld [tilespmem:s15+$0x4040]  }
0x20a: {  	[tilespmem:s15+$0xC020] =	vst v2;
	v2 =	vld [tilespmem:s15+$0x6040]  }
0x20b: {  	[tilespmem:s15+$0xE020] =	vst v1;
	v1 =	vadd.f32 v4, v6;
	v4 =	vld [tilespmem:s15+$0x12050]  }
0x20c: {  	v0 =	vadd.f32 v0, v6;
	v6 =	vld [tilespmem:s15+$0x4050]  }
0x20d: {  	[tilespmem:s15+$0xC030] =	vst v1;
	v1 =	vld [tilespmem:s15+$0x6050]  }
0x20e: {  	[tilespmem:s15+$0xE030] =	vst v0;
	v0 =	vadd.f32 v5, v3;
	v5 =	vld [tilespmem:s15+$0x12400]  }
0x20f: {  	v2 =	vadd.f32 v2, v3;
	v3 =	vld [tilespmem:s15+$0x4400]  }
0x210: {  	[tilespmem:s15+$0xC040] =	vst v0;
	v0 =	vld [tilespmem:s15+$0x6400]  }
0x211: {  	[tilespmem:s15+$0xE040] =	vst v2;
	v2 =	vadd.f32 v6, v4;
	v6 =	vld [tilespmem:s15+$0x12410]  }
0x212: {  	v1 =	vadd.f32 v1, v4;
	v4 =	vld [tilespmem:s15+$0x4410]  }
0x213: {  	[tilespmem:s15+$0xC050] =	vst v2;
	v2 =	vld [tilespmem:s15+$0x6410]  }
0x214: {  	[tilespmem:s15+$0xE050] =	vst v1;
	v1 =	vadd.f32 v3, v5;
	v7 =	vld [tilespmem:s15+$0x12420]  }
0x215: {  	v0 =	vadd.f32 v0, v5;
	v5 =	vld [tilespmem:s15+$0x4420]  }
0x216: {  	[tilespmem:s15+$0xC400] =	vst v1;
	v8 =	vld [tilespmem:s15+$0x6420]  }
.Ltmp5:
0x217: {  	[tilespmem:s15+$0xE400] =	vst v0;
	v0 =	vadd.f32 v4, v6;
	v1 =	vld [tilespmem:s15+$0x12430];
	(pc) =	sbr.rel @p2 .LBB2_9-.Ltmp5, $4  }
0x218: {  	v2 =	vadd.f32 v2, v6;
	v4 =	vld [tilespmem:s15+$0x4430]  }
0x219: {  	[tilespmem:s15+$0xC410] =	vst v0;
	v3 =	vld [tilespmem:s15+$0x6430]  }
0x21a: {  	[tilespmem:s15+$0xE410] =	vst v2;
	v6 =	vadd.f32 v5, v7;
	v0 =	vld [tilespmem:s15+$0x12440]  }
0x21b: {  	s17 =	sadd.s32 $0x800, s17;
	s19 =	sadd.s32 $0x1, s19;
	v5 =	vadd.f32 v8, v7;
	v2 =	vld [tilespmem:s15+$0x4440]  }
0x21c: {  	v7 =	vld [tilespmem:s15+$0x6440]  }
0x21d: {  	v8 =	vld [tilespmem:s15+$0x12450]  }
0x21e: {  	v9 =	vld [tilespmem:s15+$0x4450]  }
0x21f: {  	[tilespmem:s15+$0xC420] =	vst v6;
	v59 =	vld [tilespmem:s15+$0x6450];
	v4 =	vadd.f32 v4, v1  }
0x220: {  	[tilespmem:s15+$0xE420] =	vst v5;
	v60 =	vadd.f32 v3, v1  }
0x221: {  	[tilespmem:s15+$0xC430] =	vst v4;
	v2 =	vadd.f32 v2, v0  }
0x222: {  	[tilespmem:s15+$0xE430] =	vst v60;
	v61 =	vadd.f32 v7, v0  }
0x223: {  	v62 =	vadd.f32 v9, v8;
	[tilespmem:s15+$0xC440] =	vst v2  }
0x224: {  	v63 =	vadd.f32 v59, v8;
	[tilespmem:s15+$0xE440] =	vst v61  }
0x225: {  	[tilespmem:s15+$0xC450] =	vst v62  }
0x226: {  	s0 =	sadd.s32 s3, s8;
	s11 =	simm.s32 $0xC000;
	s26 =	sadd.s32 s3, s5;
	[tilespmem:s15+$0xE450] =	vst v63  }
0x227: {  	[hbm4b:s0+s4] =	stream.linear.scatter [tilespmem:s11], [sflag:$0x7], $0x2000, $0x38;
	[tilespmem:$0x14000] =	vst v63  }
0x228: {  	s1 =	simm.s32 $0xE000;
	s5 =	simm.s32 @!p1 $0x4000;
	s0 =	rddreg [dreg:$0x8]  }
0x229: {  	[hbm4b:s26+s4] =	stream.linear.scatter [tilespmem:s1], [sflag:$0x8], $0x2000, $0x38;
	[tilespmem:$0x14000] =	vst v63  }
.Ltmp6:
0x22a: {  	s0 =	sadd.s32 @!p1 s9, s0;
	s1 =	simm.s32 @!p1 $0x0;
	(pc) =	sbr.rel @p0 .LBB2_12-.Ltmp6, $4  }
0x22b: {  	[tilespmem:s5], [sflag:$0x3] =	stream.linear.gather @!p1 [hbm4b:s0+s1], $0x2000, $0x38;
	[tilespmem:$0x14000] =	vst v63  }
0x22c: {  	s0 =	rddreg [dreg:$0xb]  }
0x22d: {  	s5 =	simm.s32 @!p1 $0x6000;
	s0 =	sadd.s32 @!p1 s9, s0  }
0x22e: {  	[tilespmem:s5], [sflag:$0x4] =	stream.linear.gather @!p1 [hbm4b:s0+s1], $0x2000, $0x38;
	[tilespmem:$0x14000] =	vst v63  }
.Ltmp7:
0x22f: {  	(pc) =	sbr.rel .LBB2_2-.Ltmp7, $4  }
0x230: {  	_ = 	snop  }
0x231: {  	s0 =	rddreg [dreg:$0x15]  }
0x232: {  	s1 =	simm.s32 $0x12000;
	s24 =	sadd.s32 $0x1, s24;
	s0 =	sadd.s32 s0, s25  }
0x233: {  	[tilespmem:s1], [sflag:$0xA] =	stream.linear.gather [hbm4b:s0+s4], $0x2000, $0x38;
	[tilespmem:$0x14000] =	vst v63  }
.LBB2_13:
0x234: {  	_ =	sfence.sel $0x180000  }
0x235: {  	[bflag:$0x0] =	sbarrier.arrive $0xFFFF  }
0x236: {  	_ =	strace $0x90000047  }
0x237: {  	s0 =	stileid.u32;
	[bflag:$0x2] =	sbarrier.arrive $0xFFFF  }
0x238: {  	p0 =	sne.s32 s0, $0x0;
	s0 =	rddreg [dreg:$0x3]  }
0x239: {  	s0 =	sadd.s32 @!p0 $0x100000, s0  }
0x23a: {  	[sflag:s0] =	ssyncadd.tile.s32 @!p0 $0x1;
	_ =	shalt  }
.Lfunc_end2:
_tile_overlayer_lowered:
.L_overlay_start_2:
0x23b: {  	(tag) =	ssettag $0x2  }
0x23c: {  	s0 =	rddreg [dreg:$0x0];
	s2 =	stileid.u32  }
0x23d: {  	s1 =	rddreg [dreg:$0x1];
	p0 =	sne.s32 s2, $0x0  }
0x23e: {  	s3 =	rddreg [dreg:$0x2];
	[bflag:$0x3] =	sbarrier.arrive $0xFFFF;
	s2 =	simm.s32 @!p0 $0x1C0B  }
0x23f: {  	[timem:s3], [sflag:s2] =	dma.local @!p0 [hbm:s0], s1  }
0x240: {  	s0 =	simm.s32 @!p0 $0xB  }
0x241: {  	_ =	swait.ge @!p0 [sflag:s0], s1  }
0x242: {  	s1 =	ssub.s32 @!p0 $0x0, s1;
	[sflag:s0] =	ssyncset.done @!p0 $0x0  }
0x243: {  	[sflag:s0] =	ssyncadd.s32 @!p0 s1  }
0x244: {  	[bflag:$0x3] =	sbarrier.arrive $0xFFFF  }
0x245: {  	_ =	shalt  }

</sc_bundles>
